<compile_context>
chip_gen: v7x
topology: tpu7x:2x2x1
jax: 0.10.2.dev20260603
libtpu: 0.0.44.dev20260713+nightly
codegen_flags: <defaults>
</compile_context>

<pallas_src>
import functools

import jax
import jax.numpy as jnp
from jax import lax
from jax.experimental import pallas as pl
from jax.experimental.pallas import tpu as pltpu
from jax.experimental.pallas import tpu_sc as plsc

N_ATOMS = 100000
NUM_EMB = 84
EMB = 128
UNIT = 128
N_UNITS = (N_ATOMS + UNIT - 1) // UNIT
NC, NS = 2, 16
NW = NC * NS
UNITS_PER_W = (N_UNITS + NW - 1) // NW
ROWS_PER_W = UNITS_PER_W * UNIT
PAD_N = NW * ROWS_PER_W
NBUF = 5
LOOKAHEAD = 3


@functools.lru_cache(maxsize=None)
def _build():
    mesh = plsc.VectorSubcoreMesh(core_axis_name="c", subcore_axis_name="s")

    @functools.partial(
        pl.kernel,
        out_type=jax.ShapeDtypeStruct((N_ATOMS, EMB), jnp.float32),
        mesh=mesh,
        scratch_types=[
            pltpu.VMEM((ROWS_PER_W,), jnp.int32),
            pltpu.VMEM_SHARED((NUM_EMB, EMB), jnp.float32),
        ]
        + [pltpu.VMEM((UNIT, EMB), jnp.float32)] * NBUF
        + [pltpu.SemaphoreType.DMA] * (2 * NBUF + 1),
    )
    def emb(z_hbm, table_hbm, out_hbm, slab, table_sp, *rest):
        bufs = rest[:NBUF]
        gsems = rest[NBUF : 2 * NBUF]
        wsems = rest[2 * NBUF : 3 * NBUF]
        tsem = rest[3 * NBUF]

        wid = lax.axis_index("s") * NC + lax.axis_index("c")
        row0 = pl.multiple_of(wid * ROWS_PER_W, ROWS_PER_W)

        is_stager = lax.axis_index("s") == 0

        @pl.when(is_stager)
        def _():
            pltpu.make_async_copy(table_hbm, table_sp, tsem).start()

        pltpu.sync_copy(z_hbm.at[pl.ds(row0, ROWS_PER_W)], slab)

        @pl.when(is_stager)
        def _():
            pltpu.make_async_copy(table_hbm, table_sp, tsem).wait()

        plsc.subcore_barrier()

        def unit_row(u):
            return jnp.minimum((row0 + u * UNIT), N_ATOMS - UNIT)

        def write_desc(u):
            rb = unit_row(u)
            return pltpu.make_async_copy(
                bufs[u % NBUF], out_hbm.at[pl.ds(rb, UNIT)], wsems[u % NBUF]
            )

        gds = {}
        for t in range(UNITS_PER_W + LOOKAHEAD):
            if t < UNITS_PER_W:
                prev = t - NBUF
                if prev >= 0:
                    @pl.when(row0 + prev * UNIT < N_ATOMS)
                    def _(prev=prev):
                        write_desc(prev).wait()

                loff = pl.multiple_of(unit_row(t) - row0, 8)
                gds[t] = pltpu.async_copy(
                    table_sp.at[slab.at[pl.ds(loff, UNIT)]],
                    bufs[t % NBUF],
                    gsems[t % NBUF],
                )
            v = t - LOOKAHEAD
            if v >= 0:
                gds[v].wait()

                @pl.when(row0 + v * UNIT < N_ATOMS)
                def _(v=v):
                    write_desc(v).start()

        for p in range(max(0, UNITS_PER_W - NBUF), UNITS_PER_W):
            @pl.when(row0 + p * UNIT < N_ATOMS)
            def _(p=p):
                write_desc(p).wait()

    return emb


def kernel(Z, table):
    z = jnp.pad(Z.astype(jnp.int32), (0, PAD_N - N_ATOMS))
    return _build()(z, table)

# --- scband reference (transcript-rebuilt; emitter-appended) ---
"""Pipeline reference for scband-atom-and-probe-embedding-81063212745212 (READ-ONLY COPY).

The authoritative reference and input builder live on the scoring server;
editing this copy changes nothing except your own understanding.
"""

import jax, jax.numpy as jnp
import numpy as np

NUM_EMB = 83 + 1
EMB_SIZE = 128
N_ATOMS = 100000

def setup_inputs(seed: int = 0) -> dict:
    key = jax.random.key(seed)
    k1, k2 = jax.random.split(key)
    Z = jax.random.randint(k1, (N_ATOMS,), 0, NUM_EMB, dtype=jnp.int64 if jax.config.jax_enable_x64 else jnp.int32)
    # torch.nn.init.uniform_(weight, a=-sqrt(3), b=sqrt(3))
    table = jax.random.uniform(k2, (NUM_EMB, EMB_SIZE), dtype=jnp.float32, minval=-np.sqrt(3), maxval=np.sqrt(3))
    return {"Z": Z, "table": table}

def reference(Z, table):
    # embedding lookup: h = embeddings(Z)
    h = jnp.take(table, Z, axis=0)
    return h

if __name__ == "__main__":
    import jax
    _d = setup_inputs()
    print(jax.jit(kernel)(*tuple(_d.values())))

</pallas_src>

<mosaic_0001>
#map = affine_map<(d0, d1) -> (0)>
#map1 = affine_map<(d0, d1) -> (0, 0)>
module attributes {stable_mosaic.version = 14 : i64} {
  func.func @emb(%arg0: i32, %arg1: i32, %arg2: memref<102400xi32, #tpu.memory_space<hbm>>, %arg3: memref<84x128xf32, #tpu.memory_space<hbm>>, %arg4: memref<100000x128xf32, #tpu.memory_space<hbm>>, %arg5: memref<3200xi32, #tpu.memory_space<vmem>>, %arg6: memref<84x128xf32, #tpu.memory_space<vmem_shared>>, %arg7: memref<128x128xf32, #tpu.memory_space<vmem>>, %arg8: memref<128x128xf32, #tpu.memory_space<vmem>>, %arg9: memref<128x128xf32, #tpu.memory_space<vmem>>, %arg10: memref<128x128xf32, #tpu.memory_space<vmem>>, %arg11: memref<128x128xf32, #tpu.memory_space<vmem>>, %arg12: memref<!tpu.dma_semaphore, #tpu.memory_space<semaphore_mem>>, %arg13: memref<!tpu.dma_semaphore, #tpu.memory_space<semaphore_mem>>, %arg14: memref<!tpu.dma_semaphore, #tpu.memory_space<semaphore_mem>>, %arg15: memref<!tpu.dma_semaphore, #tpu.memory_space<semaphore_mem>>, %arg16: memref<!tpu.dma_semaphore, #tpu.memory_space<semaphore_mem>>, %arg17: memref<!tpu.dma_semaphore, #tpu.memory_space<semaphore_mem>>, %arg18: memref<!tpu.dma_semaphore, #tpu.memory_space<semaphore_mem>>, %arg19: memref<!tpu.dma_semaphore, #tpu.memory_space<semaphore_mem>>, %arg20: memref<!tpu.dma_semaphore, #tpu.memory_space<semaphore_mem>>, %arg21: memref<!tpu.dma_semaphore, #tpu.memory_space<semaphore_mem>>, %arg22: memref<!tpu.dma_semaphore, #tpu.memory_space<semaphore_mem>>) attributes {dimension_semantics = [#tpu.dimension_semantics<core_parallel>, #tpu.dimension_semantics<subcore_parallel>], iteration_bounds = array<i64: 2, 16>, scalar_prefetch = 0 : i64, scratch_operands = 18 : i64, tpu.core_type = #tpu.core_type<sc_vector_subcore>, window_params = [{transform_indices = #map}, {transform_indices = #map1}, {transform_indices = #map1}]} {
    %mul3A = arith.constant 2 : i32
    %mul3A_0 = arith.muli %arg1, %mul3A : i32
    %add3A = arith.addi %mul3A_0, %arg0 : i32
    %mul3A_1 = arith.constant 3200 : i32
    %mul3A_2 = arith.muli %add3A, %mul3A_1 : i32
    %multiple_of3A = tpu.assume_multiple %mul3A_2, 3200 : i32
    %eq3A = arith.constant 0 : i32
    %eq3A_3 = arith.cmpi eq, %arg1, %eq3A : i32
    %convert_element_type3A = arith.extui %eq3A_3 : i1 to i32
    %cond3A = arith.constant 0 : i32
    %cond3A_4 = arith.cmpi ne, %convert_element_type3A, %cond3A : i32
    scf.if %cond3A_4 {
      tpu.enqueue_dma source(%arg3 : memref<84x128xf32, #tpu.memory_space<hbm>>) target(%arg6 : memref<84x128xf32, #tpu.memory_space<vmem_shared>>) target_semaphore(%arg22 : memref<!tpu.dma_semaphore, #tpu.memory_space<semaphore_mem>>)
    } else {
    }
    "tpu.region"() ({
      %run_scoped3A = tpu.sem_alloc : memref<!tpu.dma_semaphore, #tpu.memory_space<semaphore_mem>>
      %dma_start3A_703 = tpu.memref_slice %arg2[%multiple_of3A] : memref<102400xi32, #tpu.memory_space<hbm>> -> memref<3200xi32, #tpu.memory_space<hbm>>
      %dma_start3A_704 = tpu.memref_slice %arg2[%multiple_of3A] : memref<102400xi32, #tpu.memory_space<hbm>> -> memref<3200xi32, #tpu.memory_space<hbm>>
      tpu.enqueue_dma source(%dma_start3A_704 : memref<3200xi32, #tpu.memory_space<hbm>>) target(%arg5 : memref<3200xi32, #tpu.memory_space<vmem>>) target_semaphore(%run_scoped3A : memref<!tpu.dma_semaphore, #tpu.memory_space<semaphore_mem>>)
      %dma_wait3A_705 = tpu.memref_slice %arg2[%multiple_of3A] : memref<102400xi32, #tpu.memory_space<hbm>> -> memref<3200xi32, #tpu.memory_space<hbm>>
      %dma_wait3A_706 = tpu.memref_slice %arg2[%multiple_of3A] : memref<102400xi32, #tpu.memory_space<hbm>> -> memref<3200xi32, #tpu.memory_space<hbm>>
      tpu.wait_dma2 semaphore(%run_scoped3A : memref<!tpu.dma_semaphore, #tpu.memory_space<semaphore_mem>>) src(%dma_wait3A_706 : memref<3200xi32, #tpu.memory_space<hbm>>) dst(%arg5 : memref<3200xi32, #tpu.memory_space<vmem>>)
      tpu.yield
    }) : () -> ()
    %convert_element_type3A_5 = arith.extui %eq3A_3 : i1 to i32
    %cond3A_6 = arith.constant 0 : i32
    %cond3A_7 = arith.cmpi ne, %convert_element_type3A_5, %cond3A_6 : i32
    scf.if %cond3A_7 {
      tpu.wait_dma2 semaphore(%arg22 : memref<!tpu.dma_semaphore, #tpu.memory_space<semaphore_mem>>) src(%arg3 : memref<84x128xf32, #tpu.memory_space<hbm>>) dst(%arg6 : memref<84x128xf32, #tpu.memory_space<vmem_shared>>)
    } else {
    }
    %barrier3A = arith.constant 0 : index
    tpu.barrier barrier_id(%barrier3A)
    %add3A_8 = arith.constant 0 : i32
    %add3A_9 = arith.addi %multiple_of3A, %add3A_8 : i32
    %min3A = arith.constant 99872 : i32
    %min3A_10 = arith.minsi %add3A_9, %min3A : i32
    %sub3A = arith.subi %min3A_10, %multiple_of3A : i32
    %multiple_of3A_11 = tpu.assume_multiple %sub3A, 8 : i32
    %dma_start3A = tpu.memref_slice %arg5[%multiple_of3A_11] : memref<3200xi32, #tpu.memory_space<vmem>> -> memref<128xi32, #tpu.memory_space<vmem>>
    %dma_start3A_12 = arith.constant 0 : i32
    %dma_start3A_13 = arith.constant 0 : i32
    %dma_start3A_14 = tpu.memref_slice %arg6[%dma_start3A_12, %dma_start3A_13] : memref<84x128xf32, #tpu.memory_space<vmem_shared>> -> memref<84x128xf32, #tpu.memory_space<vmem_shared>>
    tpu.enqueue_indirect_dma source(%dma_start3A_14 : memref<84x128xf32, #tpu.memory_space<vmem_shared>>) target(%arg7 : memref<128x128xf32, #tpu.memory_space<vmem>>) offsets(%dma_start3A : memref<128xi32, #tpu.memory_space<vmem>>) semaphore(%arg12 : memref<!tpu.dma_semaphore, #tpu.memory_space<semaphore_mem>>)
    %add3A_15 = arith.constant 128 : i32
    %add3A_16 = arith.addi %multiple_of3A, %add3A_15 : i32
    %min3A_17 = arith.constant 99872 : i32
    %min3A_18 = arith.minsi %add3A_16, %min3A_17 : i32
    %sub3A_19 = arith.subi %min3A_18, %multiple_of3A : i32
    %multiple_of3A_20 = tpu.assume_multiple %sub3A_19, 8 : i32
    %dma_start3A_21 = tpu.memref_slice %arg5[%multiple_of3A_20] : memref<3200xi32, #tpu.memory_space<vmem>> -> memref<128xi32, #tpu.memory_space<vmem>>
    %dma_start3A_22 = arith.constant 0 : i32
    %dma_start3A_23 = arith.constant 0 : i32
    %dma_start3A_24 = tpu.memref_slice %arg6[%dma_start3A_22, %dma_start3A_23] : memref<84x128xf32, #tpu.memory_space<vmem_shared>> -> memref<84x128xf32, #tpu.memory_space<vmem_shared>>
    tpu.enqueue_indirect_dma source(%dma_start3A_24 : memref<84x128xf32, #tpu.memory_space<vmem_shared>>) target(%arg8 : memref<128x128xf32, #tpu.memory_space<vmem>>) offsets(%dma_start3A_21 : memref<128xi32, #tpu.memory_space<vmem>>) semaphore(%arg13 : memref<!tpu.dma_semaphore, #tpu.memory_space<semaphore_mem>>)
    %add3A_25 = arith.constant 256 : i32
    %add3A_26 = arith.addi %multiple_of3A, %add3A_25 : i32
    %min3A_27 = arith.constant 99872 : i32
    %min3A_28 = arith.minsi %add3A_26, %min3A_27 : i32
    %sub3A_29 = arith.subi %min3A_28, %multiple_of3A : i32
    %multiple_of3A_30 = tpu.assume_multiple %sub3A_29, 8 : i32
    %dma_start3A_31 = tpu.memref_slice %arg5[%multiple_of3A_30] : memref<3200xi32, #tpu.memory_space<vmem>> -> memref<128xi32, #tpu.memory_space<vmem>>
    %dma_start3A_32 = arith.constant 0 : i32
    %dma_start3A_33 = arith.constant 0 : i32
    %dma_start3A_34 = tpu.memref_slice %arg6[%dma_start3A_32, %dma_start3A_33] : memref<84x128xf32, #tpu.memory_space<vmem_shared>> -> memref<84x128xf32, #tpu.memory_space<vmem_shared>>
    tpu.enqueue_indirect_dma source(%dma_start3A_34 : memref<84x128xf32, #tpu.memory_space<vmem_shared>>) target(%arg9 : memref<128x128xf32, #tpu.memory_space<vmem>>) offsets(%dma_start3A_31 : memref<128xi32, #tpu.memory_space<vmem>>) semaphore(%arg14 : memref<!tpu.dma_semaphore, #tpu.memory_space<semaphore_mem>>)
    %add3A_35 = arith.constant 384 : i32
    %add3A_36 = arith.addi %multiple_of3A, %add3A_35 : i32
    %min3A_37 = arith.constant 99872 : i32
    %min3A_38 = arith.minsi %add3A_36, %min3A_37 : i32
    %sub3A_39 = arith.subi %min3A_38, %multiple_of3A : i32
    %multiple_of3A_40 = tpu.assume_multiple %sub3A_39, 8 : i32
    %dma_start3A_41 = tpu.memref_slice %arg5[%multiple_of3A_40] : memref<3200xi32, #tpu.memory_space<vmem>> -> memref<128xi32, #tpu.memory_space<vmem>>
    %dma_start3A_42 = arith.constant 0 : i32
    %dma_start3A_43 = arith.constant 0 : i32
    %dma_start3A_44 = tpu.memref_slice %arg6[%dma_start3A_42, %dma_start3A_43] : memref<84x128xf32, #tpu.memory_space<vmem_shared>> -> memref<84x128xf32, #tpu.memory_space<vmem_shared>>
    tpu.enqueue_indirect_dma source(%dma_start3A_44 : memref<84x128xf32, #tpu.memory_space<vmem_shared>>) target(%arg10 : memref<128x128xf32, #tpu.memory_space<vmem>>) offsets(%dma_start3A_41 : memref<128xi32, #tpu.memory_space<vmem>>) semaphore(%arg15 : memref<!tpu.dma_semaphore, #tpu.memory_space<semaphore_mem>>)
    %dma_wait3A = tpu.memref_slice %arg5[%multiple_of3A_11] : memref<3200xi32, #tpu.memory_space<vmem>> -> memref<128xi32, #tpu.memory_space<vmem>>
    %dma_wait3A_45 = arith.constant 0 : i32
    %dma_wait3A_46 = arith.constant 0 : i32
    %dma_wait3A_47 = tpu.memref_slice %arg6[%dma_wait3A_45, %dma_wait3A_46] : memref<84x128xf32, #tpu.memory_space<vmem_shared>> -> memref<84x128xf32, #tpu.memory_space<vmem_shared>>
    tpu.wait_indirect_dma semaphore(%arg12 : memref<!tpu.dma_semaphore, #tpu.memory_space<semaphore_mem>>) src(%dma_wait3A_47 : memref<84x128xf32, #tpu.memory_space<vmem_shared>>) dst(%arg7 : memref<128x128xf32, #tpu.memory_space<vmem>>)
    %add3A_48 = arith.constant 0 : i32
    %add3A_49 = arith.addi %multiple_of3A, %add3A_48 : i32
    %lt3A = arith.constant 100000 : i32
    %lt3A_50 = arith.cmpi slt, %add3A_49, %lt3A : i32
    %convert_element_type3A_51 = arith.extui %lt3A_50 : i1 to i32
    %cond3A_52 = arith.constant 0 : i32
    %cond3A_53 = arith.cmpi ne, %convert_element_type3A_51, %cond3A_52 : i32
    scf.if %cond3A_53 {
      %add3A_703 = arith.constant 0 : i32
      %add3A_704 = arith.addi %multiple_of3A, %add3A_703 : i32
      %min3A_705 = arith.constant 99872 : i32
      %min3A_706 = arith.minsi %add3A_704, %min3A_705 : i32
      %dma_start3A_707 = arith.constant 0 : i32
      %dma_start3A_708 = tpu.memref_slice %arg4[%min3A_706, %dma_start3A_707] : memref<100000x128xf32, #tpu.memory_space<hbm>> -> memref<128x128xf32, #tpu.memory_space<hbm>>
      %dma_start3A_709 = arith.constant 0 : i32
      %dma_start3A_710 = tpu.memref_slice %arg4[%min3A_706, %dma_start3A_709] : memref<100000x128xf32, #tpu.memory_space<hbm>> -> memref<128x128xf32, #tpu.memory_space<hbm>>
      tpu.enqueue_dma source(%arg7 : memref<128x128xf32, #tpu.memory_space<vmem>>) target(%dma_start3A_710 : memref<128x128xf32, #tpu.memory_space<hbm>>) target_semaphore(%arg17 : memref<!tpu.dma_semaphore, #tpu.memory_space<semaphore_mem>>)
    } else {
    }
    %add3A_54 = arith.constant 512 : i32
    %add3A_55 = arith.addi %multiple_of3A, %add3A_54 : i32
    %min3A_56 = arith.constant 99872 : i32
    %min3A_57 = arith.minsi %add3A_55, %min3A_56 : i32
    %sub3A_58 = arith.subi %min3A_57, %multiple_of3A : i32
    %multiple_of3A_59 = tpu.assume_multiple %sub3A_58, 8 : i32
    %dma_start3A_60 = tpu.memref_slice %arg5[%multiple_of3A_59] : memref<3200xi32, #tpu.memory_space<vmem>> -> memref<128xi32, #tpu.memory_space<vmem>>
    %dma_start3A_61 = arith.constant 0 : i32
    %dma_start3A_62 = arith.constant 0 : i32
    %dma_start3A_63 = tpu.memref_slice %arg6[%dma_start3A_61, %dma_start3A_62] : memref<84x128xf32, #tpu.memory_space<vmem_shared>> -> memref<84x128xf32, #tpu.memory_space<vmem_shared>>
    tpu.enqueue_indirect_dma source(%dma_start3A_63 : memref<84x128xf32, #tpu.memory_space<vmem_shared>>) target(%arg11 : memref<128x128xf32, #tpu.memory_space<vmem>>) offsets(%dma_start3A_60 : memref<128xi32, #tpu.memory_space<vmem>>) semaphore(%arg16 : memref<!tpu.dma_semaphore, #tpu.memory_space<semaphore_mem>>)
    %dma_wait3A_64 = tpu.memref_slice %arg5[%multiple_of3A_20] : memref<3200xi32, #tpu.memory_space<vmem>> -> memref<128xi32, #tpu.memory_space<vmem>>
    %dma_wait3A_65 = arith.constant 0 : i32
    %dma_wait3A_66 = arith.constant 0 : i32
    %dma_wait3A_67 = tpu.memref_slice %arg6[%dma_wait3A_65, %dma_wait3A_66] : memref<84x128xf32, #tpu.memory_space<vmem_shared>> -> memref<84x128xf32, #tpu.memory_space<vmem_shared>>
    tpu.wait_indirect_dma semaphore(%arg13 : memref<!tpu.dma_semaphore, #tpu.memory_space<semaphore_mem>>) src(%dma_wait3A_67 : memref<84x128xf32, #tpu.memory_space<vmem_shared>>) dst(%arg8 : memref<128x128xf32, #tpu.memory_space<vmem>>)
    %add3A_68 = arith.constant 128 : i32
    %add3A_69 = arith.addi %multiple_of3A, %add3A_68 : i32
    %lt3A_70 = arith.constant 100000 : i32
    %lt3A_71 = arith.cmpi slt, %add3A_69, %lt3A_70 : i32
    %convert_element_type3A_72 = arith.extui %lt3A_71 : i1 to i32
    %cond3A_73 = arith.constant 0 : i32
    %cond3A_74 = arith.cmpi ne, %convert_element_type3A_72, %cond3A_73 : i32
    scf.if %cond3A_74 {
      %add3A_703 = arith.constant 128 : i32
      %add3A_704 = arith.addi %multiple_of3A, %add3A_703 : i32
      %min3A_705 = arith.constant 99872 : i32
      %min3A_706 = arith.minsi %add3A_704, %min3A_705 : i32
      %dma_start3A_707 = arith.constant 0 : i32
      %dma_start3A_708 = tpu.memref_slice %arg4[%min3A_706, %dma_start3A_707] : memref<100000x128xf32, #tpu.memory_space<hbm>> -> memref<128x128xf32, #tpu.memory_space<hbm>>
      %dma_start3A_709 = arith.constant 0 : i32
      %dma_start3A_710 = tpu.memref_slice %arg4[%min3A_706, %dma_start3A_709] : memref<100000x128xf32, #tpu.memory_space<hbm>> -> memref<128x128xf32, #tpu.memory_space<hbm>>
      tpu.enqueue_dma source(%arg8 : memref<128x128xf32, #tpu.memory_space<vmem>>) target(%dma_start3A_710 : memref<128x128xf32, #tpu.memory_space<hbm>>) target_semaphore(%arg18 : memref<!tpu.dma_semaphore, #tpu.memory_space<semaphore_mem>>)
    } else {
    }
    %add3A_75 = arith.constant 0 : i32
    %add3A_76 = arith.addi %multiple_of3A, %add3A_75 : i32
    %lt3A_77 = arith.constant 100000 : i32
    %lt3A_78 = arith.cmpi slt, %add3A_76, %lt3A_77 : i32
    %convert_element_type3A_79 = arith.extui %lt3A_78 : i1 to i32
    %cond3A_80 = arith.constant 0 : i32
    %cond3A_81 = arith.cmpi ne, %convert_element_type3A_79, %cond3A_80 : i32
    scf.if %cond3A_81 {
      %add3A_703 = arith.constant 0 : i32
      %add3A_704 = arith.addi %multiple_of3A, %add3A_703 : i32
      %min3A_705 = arith.constant 99872 : i32
      %min3A_706 = arith.minsi %add3A_704, %min3A_705 : i32
      %dma_wait3A_707 = arith.constant 0 : i32
      %dma_wait3A_708 = tpu.memref_slice %arg4[%min3A_706, %dma_wait3A_707] : memref<100000x128xf32, #tpu.memory_space<hbm>> -> memref<128x128xf32, #tpu.memory_space<hbm>>
      %dma_wait3A_709 = arith.constant 0 : i32
      %dma_wait3A_710 = tpu.memref_slice %arg4[%min3A_706, %dma_wait3A_709] : memref<100000x128xf32, #tpu.memory_space<hbm>> -> memref<128x128xf32, #tpu.memory_space<hbm>>
      tpu.wait_dma2 semaphore(%arg17 : memref<!tpu.dma_semaphore, #tpu.memory_space<semaphore_mem>>) src(%arg7 : memref<128x128xf32, #tpu.memory_space<vmem>>) dst(%dma_wait3A_710 : memref<128x128xf32, #tpu.memory_space<hbm>>)
    } else {
    }
    %add3A_82 = arith.constant 640 : i32
    %add3A_83 = arith.addi %multiple_of3A, %add3A_82 : i32
    %min3A_84 = arith.constant 99872 : i32
    %min3A_85 = arith.minsi %add3A_83, %min3A_84 : i32
    %sub3A_86 = arith.subi %min3A_85, %multiple_of3A : i32
    %multiple_of3A_87 = tpu.assume_multiple %sub3A_86, 8 : i32
    %dma_start3A_88 = tpu.memref_slice %arg5[%multiple_of3A_87] : memref<3200xi32, #tpu.memory_space<vmem>> -> memref<128xi32, #tpu.memory_space<vmem>>
    %dma_start3A_89 = arith.constant 0 : i32
    %dma_start3A_90 = arith.constant 0 : i32
    %dma_start3A_91 = tpu.memref_slice %arg6[%dma_start3A_89, %dma_start3A_90] : memref<84x128xf32, #tpu.memory_space<vmem_shared>> -> memref<84x128xf32, #tpu.memory_space<vmem_shared>>
    tpu.enqueue_indirect_dma source(%dma_start3A_91 : memref<84x128xf32, #tpu.memory_space<vmem_shared>>) target(%arg7 : memref<128x128xf32, #tpu.memory_space<vmem>>) offsets(%dma_start3A_88 : memref<128xi32, #tpu.memory_space<vmem>>) semaphore(%arg12 : memref<!tpu.dma_semaphore, #tpu.memory_space<semaphore_mem>>)
    %dma_wait3A_92 = tpu.memref_slice %arg5[%multiple_of3A_30] : memref<3200xi32, #tpu.memory_space<vmem>> -> memref<128xi32, #tpu.memory_space<vmem>>
    %dma_wait3A_93 = arith.constant 0 : i32
    %dma_wait3A_94 = arith.constant 0 : i32
    %dma_wait3A_95 = tpu.memref_slice %arg6[%dma_wait3A_93, %dma_wait3A_94] : memref<84x128xf32, #tpu.memory_space<vmem_shared>> -> memref<84x128xf32, #tpu.memory_space<vmem_shared>>
    tpu.wait_indirect_dma semaphore(%arg14 : memref<!tpu.dma_semaphore, #tpu.memory_space<semaphore_mem>>) src(%dma_wait3A_95 : memref<84x128xf32, #tpu.memory_space<vmem_shared>>) dst(%arg9 : memref<128x128xf32, #tpu.memory_space<vmem>>)
    %add3A_96 = arith.constant 256 : i32
    %add3A_97 = arith.addi %multiple_of3A, %add3A_96 : i32
    %lt3A_98 = arith.constant 100000 : i32
    %lt3A_99 = arith.cmpi slt, %add3A_97, %lt3A_98 : i32
    %convert_element_type3A_100 = arith.extui %lt3A_99 : i1 to i32
    %cond3A_101 = arith.constant 0 : i32
    %cond3A_102 = arith.cmpi ne, %convert_element_type3A_100, %cond3A_101 : i32
    scf.if %cond3A_102 {
      %add3A_703 = arith.constant 256 : i32
      %add3A_704 = arith.addi %multiple_of3A, %add3A_703 : i32
      %min3A_705 = arith.constant 99872 : i32
      %min3A_706 = arith.minsi %add3A_704, %min3A_705 : i32
      %dma_start3A_707 = arith.constant 0 : i32
      %dma_start3A_708 = tpu.memref_slice %arg4[%min3A_706, %dma_start3A_707] : memref<100000x128xf32, #tpu.memory_space<hbm>> -> memref<128x128xf32, #tpu.memory_space<hbm>>
      %dma_start3A_709 = arith.constant 0 : i32
      %dma_start3A_710 = tpu.memref_slice %arg4[%min3A_706, %dma_start3A_709] : memref<100000x128xf32, #tpu.memory_space<hbm>> -> memref<128x128xf32, #tpu.memory_space<hbm>>
      tpu.enqueue_dma source(%arg9 : memref<128x128xf32, #tpu.memory_space<vmem>>) target(%dma_start3A_710 : memref<128x128xf32, #tpu.memory_space<hbm>>) target_semaphore(%arg19 : memref<!tpu.dma_semaphore, #tpu.memory_space<semaphore_mem>>)
    } else {
    }
    %add3A_103 = arith.constant 128 : i32
    %add3A_104 = arith.addi %multiple_of3A, %add3A_103 : i32
    %lt3A_105 = arith.constant 100000 : i32
    %lt3A_106 = arith.cmpi slt, %add3A_104, %lt3A_105 : i32
    %convert_element_type3A_107 = arith.extui %lt3A_106 : i1 to i32
    %cond3A_108 = arith.constant 0 : i32
    %cond3A_109 = arith.cmpi ne, %convert_element_type3A_107, %cond3A_108 : i32
    scf.if %cond3A_109 {
      %add3A_703 = arith.constant 128 : i32
      %add3A_704 = arith.addi %multiple_of3A, %add3A_703 : i32
      %min3A_705 = arith.constant 99872 : i32
      %min3A_706 = arith.minsi %add3A_704, %min3A_705 : i32
      %dma_wait3A_707 = arith.constant 0 : i32
      %dma_wait3A_708 = tpu.memref_slice %arg4[%min3A_706, %dma_wait3A_707] : memref<100000x128xf32, #tpu.memory_space<hbm>> -> memref<128x128xf32, #tpu.memory_space<hbm>>
      %dma_wait3A_709 = arith.constant 0 : i32
      %dma_wait3A_710 = tpu.memref_slice %arg4[%min3A_706, %dma_wait3A_709] : memref<100000x128xf32, #tpu.memory_space<hbm>> -> memref<128x128xf32, #tpu.memory_space<hbm>>
      tpu.wait_dma2 semaphore(%arg18 : memref<!tpu.dma_semaphore, #tpu.memory_space<semaphore_mem>>) src(%arg8 : memref<128x128xf32, #tpu.memory_space<vmem>>) dst(%dma_wait3A_710 : memref<128x128xf32, #tpu.memory_space<hbm>>)
    } else {
    }
    %add3A_110 = arith.constant 768 : i32
    %add3A_111 = arith.addi %multiple_of3A, %add3A_110 : i32
    %min3A_112 = arith.constant 99872 : i32
    %min3A_113 = arith.minsi %add3A_111, %min3A_112 : i32
    %sub3A_114 = arith.subi %min3A_113, %multiple_of3A : i32
    %multiple_of3A_115 = tpu.assume_multiple %sub3A_114, 8 : i32
    %dma_start3A_116 = tpu.memref_slice %arg5[%multiple_of3A_115] : memref<3200xi32, #tpu.memory_space<vmem>> -> memref<128xi32, #tpu.memory_space<vmem>>
    %dma_start3A_117 = arith.constant 0 : i32
    %dma_start3A_118 = arith.constant 0 : i32
    %dma_start3A_119 = tpu.memref_slice %arg6[%dma_start3A_117, %dma_start3A_118] : memref<84x128xf32, #tpu.memory_space<vmem_shared>> -> memref<84x128xf32, #tpu.memory_space<vmem_shared>>
    tpu.enqueue_indirect_dma source(%dma_start3A_119 : memref<84x128xf32, #tpu.memory_space<vmem_shared>>) target(%arg8 : memref<128x128xf32, #tpu.memory_space<vmem>>) offsets(%dma_start3A_116 : memref<128xi32, #tpu.memory_space<vmem>>) semaphore(%arg13 : memref<!tpu.dma_semaphore, #tpu.memory_space<semaphore_mem>>)
    %dma_wait3A_120 = tpu.memref_slice %arg5[%multiple_of3A_40] : memref<3200xi32, #tpu.memory_space<vmem>> -> memref<128xi32, #tpu.memory_space<vmem>>
    %dma_wait3A_121 = arith.constant 0 : i32
    %dma_wait3A_122 = arith.constant 0 : i32
    %dma_wait3A_123 = tpu.memref_slice %arg6[%dma_wait3A_121, %dma_wait3A_122] : memref<84x128xf32, #tpu.memory_space<vmem_shared>> -> memref<84x128xf32, #tpu.memory_space<vmem_shared>>
    tpu.wait_indirect_dma semaphore(%arg15 : memref<!tpu.dma_semaphore, #tpu.memory_space<semaphore_mem>>) src(%dma_wait3A_123 : memref<84x128xf32, #tpu.memory_space<vmem_shared>>) dst(%arg10 : memref<128x128xf32, #tpu.memory_space<vmem>>)
    %add3A_124 = arith.constant 384 : i32
    %add3A_125 = arith.addi %multiple_of3A, %add3A_124 : i32
    %lt3A_126 = arith.constant 100000 : i32
    %lt3A_127 = arith.cmpi slt, %add3A_125, %lt3A_126 : i32
    %convert_element_type3A_128 = arith.extui %lt3A_127 : i1 to i32
    %cond3A_129 = arith.constant 0 : i32
    %cond3A_130 = arith.cmpi ne, %convert_element_type3A_128, %cond3A_129 : i32
    scf.if %cond3A_130 {
      %add3A_703 = arith.constant 384 : i32
      %add3A_704 = arith.addi %multiple_of3A, %add3A_703 : i32
      %min3A_705 = arith.constant 99872 : i32
      %min3A_706 = arith.minsi %add3A_704, %min3A_705 : i32
      %dma_start3A_707 = arith.constant 0 : i32
      %dma_start3A_708 = tpu.memref_slice %arg4[%min3A_706, %dma_start3A_707] : memref<100000x128xf32, #tpu.memory_space<hbm>> -> memref<128x128xf32, #tpu.memory_space<hbm>>
      %dma_start3A_709 = arith.constant 0 : i32
      %dma_start3A_710 = tpu.memref_slice %arg4[%min3A_706, %dma_start3A_709] : memref<100000x128xf32, #tpu.memory_space<hbm>> -> memref<128x128xf32, #tpu.memory_space<hbm>>
      tpu.enqueue_dma source(%arg10 : memref<128x128xf32, #tpu.memory_space<vmem>>) target(%dma_start3A_710 : memref<128x128xf32, #tpu.memory_space<hbm>>) target_semaphore(%arg20 : memref<!tpu.dma_semaphore, #tpu.memory_space<semaphore_mem>>)
    } else {
    }
    %add3A_131 = arith.constant 256 : i32
    %add3A_132 = arith.addi %multiple_of3A, %add3A_131 : i32
    %lt3A_133 = arith.constant 100000 : i32
    %lt3A_134 = arith.cmpi slt, %add3A_132, %lt3A_133 : i32
    %convert_element_type3A_135 = arith.extui %lt3A_134 : i1 to i32
    %cond3A_136 = arith.constant 0 : i32
    %cond3A_137 = arith.cmpi ne, %convert_element_type3A_135, %cond3A_136 : i32
    scf.if %cond3A_137 {
      %add3A_703 = arith.constant 256 : i32
      %add3A_704 = arith.addi %multiple_of3A, %add3A_703 : i32
      %min3A_705 = arith.constant 99872 : i32
      %min3A_706 = arith.minsi %add3A_704, %min3A_705 : i32
      %dma_wait3A_707 = arith.constant 0 : i32
      %dma_wait3A_708 = tpu.memref_slice %arg4[%min3A_706, %dma_wait3A_707] : memref<100000x128xf32, #tpu.memory_space<hbm>> -> memref<128x128xf32, #tpu.memory_space<hbm>>
      %dma_wait3A_709 = arith.constant 0 : i32
      %dma_wait3A_710 = tpu.memref_slice %arg4[%min3A_706, %dma_wait3A_709] : memref<100000x128xf32, #tpu.memory_space<hbm>> -> memref<128x128xf32, #tpu.memory_space<hbm>>
      tpu.wait_dma2 semaphore(%arg19 : memref<!tpu.dma_semaphore, #tpu.memory_space<semaphore_mem>>) src(%arg9 : memref<128x128xf32, #tpu.memory_space<vmem>>) dst(%dma_wait3A_710 : memref<128x128xf32, #tpu.memory_space<hbm>>)
    } else {
    }
    %add3A_138 = arith.constant 896 : i32
    %add3A_139 = arith.addi %multiple_of3A, %add3A_138 : i32
    %min3A_140 = arith.constant 99872 : i32
    %min3A_141 = arith.minsi %add3A_139, %min3A_140 : i32
    %sub3A_142 = arith.subi %min3A_141, %multiple_of3A : i32
    %multiple_of3A_143 = tpu.assume_multiple %sub3A_142, 8 : i32
    %dma_start3A_144 = tpu.memref_slice %arg5[%multiple_of3A_143] : memref<3200xi32, #tpu.memory_space<vmem>> -> memref<128xi32, #tpu.memory_space<vmem>>
    %dma_start3A_145 = arith.constant 0 : i32
    %dma_start3A_146 = arith.constant 0 : i32
    %dma_start3A_147 = tpu.memref_slice %arg6[%dma_start3A_145, %dma_start3A_146] : memref<84x128xf32, #tpu.memory_space<vmem_shared>> -> memref<84x128xf32, #tpu.memory_space<vmem_shared>>
    tpu.enqueue_indirect_dma source(%dma_start3A_147 : memref<84x128xf32, #tpu.memory_space<vmem_shared>>) target(%arg9 : memref<128x128xf32, #tpu.memory_space<vmem>>) offsets(%dma_start3A_144 : memref<128xi32, #tpu.memory_space<vmem>>) semaphore(%arg14 : memref<!tpu.dma_semaphore, #tpu.memory_space<semaphore_mem>>)
    %dma_wait3A_148 = tpu.memref_slice %arg5[%multiple_of3A_59] : memref<3200xi32, #tpu.memory_space<vmem>> -> memref<128xi32, #tpu.memory_space<vmem>>
    %dma_wait3A_149 = arith.constant 0 : i32
    %dma_wait3A_150 = arith.constant 0 : i32
    %dma_wait3A_151 = tpu.memref_slice %arg6[%dma_wait3A_149, %dma_wait3A_150] : memref<84x128xf32, #tpu.memory_space<vmem_shared>> -> memref<84x128xf32, #tpu.memory_space<vmem_shared>>
    tpu.wait_indirect_dma semaphore(%arg16 : memref<!tpu.dma_semaphore, #tpu.memory_space<semaphore_mem>>) src(%dma_wait3A_151 : memref<84x128xf32, #tpu.memory_space<vmem_shared>>) dst(%arg11 : memref<128x128xf32, #tpu.memory_space<vmem>>)
    %add3A_152 = arith.constant 512 : i32
    %add3A_153 = arith.addi %multiple_of3A, %add3A_152 : i32
    %lt3A_154 = arith.constant 100000 : i32
    %lt3A_155 = arith.cmpi slt, %add3A_153, %lt3A_154 : i32
    %convert_element_type3A_156 = arith.extui %lt3A_155 : i1 to i32
    %cond3A_157 = arith.constant 0 : i32
    %cond3A_158 = arith.cmpi ne, %convert_element_type3A_156, %cond3A_157 : i32
    scf.if %cond3A_158 {
      %add3A_703 = arith.constant 512 : i32
      %add3A_704 = arith.addi %multiple_of3A, %add3A_703 : i32
      %min3A_705 = arith.constant 99872 : i32
      %min3A_706 = arith.minsi %add3A_704, %min3A_705 : i32
      %dma_start3A_707 = arith.constant 0 : i32
      %dma_start3A_708 = tpu.memref_slice %arg4[%min3A_706, %dma_start3A_707] : memref<100000x128xf32, #tpu.memory_space<hbm>> -> memref<128x128xf32, #tpu.memory_space<hbm>>
      %dma_start3A_709 = arith.constant 0 : i32
      %dma_start3A_710 = tpu.memref_slice %arg4[%min3A_706, %dma_start3A_709] : memref<100000x128xf32, #tpu.memory_space<hbm>> -> memref<128x128xf32, #tpu.memory_space<hbm>>
      tpu.enqueue_dma source(%arg11 : memref<128x128xf32, #tpu.memory_space<vmem>>) target(%dma_start3A_710 : memref<128x128xf32, #tpu.memory_space<hbm>>) target_semaphore(%arg21 : memref<!tpu.dma_semaphore, #tpu.memory_space<semaphore_mem>>)
    } else {
    }
    %add3A_159 = arith.constant 384 : i32
    %add3A_160 = arith.addi %multiple_of3A, %add3A_159 : i32
    %lt3A_161 = arith.constant 100000 : i32
    %lt3A_162 = arith.cmpi slt, %add3A_160, %lt3A_161 : i32
    %convert_element_type3A_163 = arith.extui %lt3A_162 : i1 to i32
    %cond3A_164 = arith.constant 0 : i32
    %cond3A_165 = arith.cmpi ne, %convert_element_type3A_163, %cond3A_164 : i32
    scf.if %cond3A_165 {
      %add3A_703 = arith.constant 384 : i32
      %add3A_704 = arith.addi %multiple_of3A, %add3A_703 : i32
      %min3A_705 = arith.constant 99872 : i32
      %min3A_706 = arith.minsi %add3A_704, %min3A_705 : i32
      %dma_wait3A_707 = arith.constant 0 : i32
      %dma_wait3A_708 = tpu.memref_slice %arg4[%min3A_706, %dma_wait3A_707] : memref<100000x128xf32, #tpu.memory_space<hbm>> -> memref<128x128xf32, #tpu.memory_space<hbm>>
      %dma_wait3A_709 = arith.constant 0 : i32
      %dma_wait3A_710 = tpu.memref_slice %arg4[%min3A_706, %dma_wait3A_709] : memref<100000x128xf32, #tpu.memory_space<hbm>> -> memref<128x128xf32, #tpu.memory_space<hbm>>
      tpu.wait_dma2 semaphore(%arg20 : memref<!tpu.dma_semaphore, #tpu.memory_space<semaphore_mem>>) src(%arg10 : memref<128x128xf32, #tpu.memory_space<vmem>>) dst(%dma_wait3A_710 : memref<128x128xf32, #tpu.memory_space<hbm>>)
    } else {
    }
    %add3A_166 = arith.constant 1024 : i32
    %add3A_167 = arith.addi %multiple_of3A, %add3A_166 : i32
    %min3A_168 = arith.constant 99872 : i32
    %min3A_169 = arith.minsi %add3A_167, %min3A_168 : i32
    %sub3A_170 = arith.subi %min3A_169, %multiple_of3A : i32
    %multiple_of3A_171 = tpu.assume_multiple %sub3A_170, 8 : i32
    %dma_start3A_172 = tpu.memref_slice %arg5[%multiple_of3A_171] : memref<3200xi32, #tpu.memory_space<vmem>> -> memref<128xi32, #tpu.memory_space<vmem>>
    %dma_start3A_173 = arith.constant 0 : i32
    %dma_start3A_174 = arith.constant 0 : i32
    %dma_start3A_175 = tpu.memref_slice %arg6[%dma_start3A_173, %dma_start3A_174] : memref<84x128xf32, #tpu.memory_space<vmem_shared>> -> memref<84x128xf32, #tpu.memory_space<vmem_shared>>
    tpu.enqueue_indirect_dma source(%dma_start3A_175 : memref<84x128xf32, #tpu.memory_space<vmem_shared>>) target(%arg10 : memref<128x128xf32, #tpu.memory_space<vmem>>) offsets(%dma_start3A_172 : memref<128xi32, #tpu.memory_space<vmem>>) semaphore(%arg15 : memref<!tpu.dma_semaphore, #tpu.memory_space<semaphore_mem>>)
    %dma_wait3A_176 = tpu.memref_slice %arg5[%multiple_of3A_87] : memref<3200xi32, #tpu.memory_space<vmem>> -> memref<128xi32, #tpu.memory_space<vmem>>
    %dma_wait3A_177 = arith.constant 0 : i32
    %dma_wait3A_178 = arith.constant 0 : i32
    %dma_wait3A_179 = tpu.memref_slice %arg6[%dma_wait3A_177, %dma_wait3A_178] : memref<84x128xf32, #tpu.memory_space<vmem_shared>> -> memref<84x128xf32, #tpu.memory_space<vmem_shared>>
    tpu.wait_indirect_dma semaphore(%arg12 : memref<!tpu.dma_semaphore, #tpu.memory_space<semaphore_mem>>) src(%dma_wait3A_179 : memref<84x128xf32, #tpu.memory_space<vmem_shared>>) dst(%arg7 : memref<128x128xf32, #tpu.memory_space<vmem>>)
    %add3A_180 = arith.constant 640 : i32
    %add3A_181 = arith.addi %multiple_of3A, %add3A_180 : i32
    %lt3A_182 = arith.constant 100000 : i32
    %lt3A_183 = arith.cmpi slt, %add3A_181, %lt3A_182 : i32
    %convert_element_type3A_184 = arith.extui %lt3A_183 : i1 to i32
    %cond3A_185 = arith.constant 0 : i32
    %cond3A_186 = arith.cmpi ne, %convert_element_type3A_184, %cond3A_185 : i32
    scf.if %cond3A_186 {
      %add3A_703 = arith.constant 640 : i32
      %add3A_704 = arith.addi %multiple_of3A, %add3A_703 : i32
      %min3A_705 = arith.constant 99872 : i32
      %min3A_706 = arith.minsi %add3A_704, %min3A_705 : i32
      %dma_start3A_707 = arith.constant 0 : i32
      %dma_start3A_708 = tpu.memref_slice %arg4[%min3A_706, %dma_start3A_707] : memref<100000x128xf32, #tpu.memory_space<hbm>> -> memref<128x128xf32, #tpu.memory_space<hbm>>
      %dma_start3A_709 = arith.constant 0 : i32
      %dma_start3A_710 = tpu.memref_slice %arg4[%min3A_706, %dma_start3A_709] : memref<100000x128xf32, #tpu.memory_space<hbm>> -> memref<128x128xf32, #tpu.memory_space<hbm>>
      tpu.enqueue_dma source(%arg7 : memref<128x128xf32, #tpu.memory_space<vmem>>) target(%dma_start3A_710 : memref<128x128xf32, #tpu.memory_space<hbm>>) target_semaphore(%arg17 : memref<!tpu.dma_semaphore, #tpu.memory_space<semaphore_mem>>)
    } else {
    }
    %add3A_187 = arith.constant 512 : i32
    %add3A_188 = arith.addi %multiple_of3A, %add3A_187 : i32
    %lt3A_189 = arith.constant 100000 : i32
    %lt3A_190 = arith.cmpi slt, %add3A_188, %lt3A_189 : i32
    %convert_element_type3A_191 = arith.extui %lt3A_190 : i1 to i32
    %cond3A_192 = arith.constant 0 : i32
    %cond3A_193 = arith.cmpi ne, %convert_element_type3A_191, %cond3A_192 : i32
    scf.if %cond3A_193 {
      %add3A_703 = arith.constant 512 : i32
      %add3A_704 = arith.addi %multiple_of3A, %add3A_703 : i32
      %min3A_705 = arith.constant 99872 : i32
      %min3A_706 = arith.minsi %add3A_704, %min3A_705 : i32
      %dma_wait3A_707 = arith.constant 0 : i32
      %dma_wait3A_708 = tpu.memref_slice %arg4[%min3A_706, %dma_wait3A_707] : memref<100000x128xf32, #tpu.memory_space<hbm>> -> memref<128x128xf32, #tpu.memory_space<hbm>>
      %dma_wait3A_709 = arith.constant 0 : i32
      %dma_wait3A_710 = tpu.memref_slice %arg4[%min3A_706, %dma_wait3A_709] : memref<100000x128xf32, #tpu.memory_space<hbm>> -> memref<128x128xf32, #tpu.memory_space<hbm>>
      tpu.wait_dma2 semaphore(%arg21 : memref<!tpu.dma_semaphore, #tpu.memory_space<semaphore_mem>>) src(%arg11 : memref<128x128xf32, #tpu.memory_space<vmem>>) dst(%dma_wait3A_710 : memref<128x128xf32, #tpu.memory_space<hbm>>)
    } else {
    }
    %add3A_194 = arith.constant 1152 : i32
    %add3A_195 = arith.addi %multiple_of3A, %add3A_194 : i32
    %min3A_196 = arith.constant 99872 : i32
    %min3A_197 = arith.minsi %add3A_195, %min3A_196 : i32
    %sub3A_198 = arith.subi %min3A_197, %multiple_of3A : i32
    %multiple_of3A_199 = tpu.assume_multiple %sub3A_198, 8 : i32
    %dma_start3A_200 = tpu.memref_slice %arg5[%multiple_of3A_199] : memref<3200xi32, #tpu.memory_space<vmem>> -> memref<128xi32, #tpu.memory_space<vmem>>
    %dma_start3A_201 = arith.constant 0 : i32
    %dma_start3A_202 = arith.constant 0 : i32
    %dma_start3A_203 = tpu.memref_slice %arg6[%dma_start3A_201, %dma_start3A_202] : memref<84x128xf32, #tpu.memory_space<vmem_shared>> -> memref<84x128xf32, #tpu.memory_space<vmem_shared>>
    tpu.enqueue_indirect_dma source(%dma_start3A_203 : memref<84x128xf32, #tpu.memory_space<vmem_shared>>) target(%arg11 : memref<128x128xf32, #tpu.memory_space<vmem>>) offsets(%dma_start3A_200 : memref<128xi32, #tpu.memory_space<vmem>>) semaphore(%arg16 : memref<!tpu.dma_semaphore, #tpu.memory_space<semaphore_mem>>)
    %dma_wait3A_204 = tpu.memref_slice %arg5[%multiple_of3A_115] : memref<3200xi32, #tpu.memory_space<vmem>> -> memref<128xi32, #tpu.memory_space<vmem>>
    %dma_wait3A_205 = arith.constant 0 : i32
    %dma_wait3A_206 = arith.constant 0 : i32
    %dma_wait3A_207 = tpu.memref_slice %arg6[%dma_wait3A_205, %dma_wait3A_206] : memref<84x128xf32, #tpu.memory_space<vmem_shared>> -> memref<84x128xf32, #tpu.memory_space<vmem_shared>>
    tpu.wait_indirect_dma semaphore(%arg13 : memref<!tpu.dma_semaphore, #tpu.memory_space<semaphore_mem>>) src(%dma_wait3A_207 : memref<84x128xf32, #tpu.memory_space<vmem_shared>>) dst(%arg8 : memref<128x128xf32, #tpu.memory_space<vmem>>)
    %add3A_208 = arith.constant 768 : i32
    %add3A_209 = arith.addi %multiple_of3A, %add3A_208 : i32
    %lt3A_210 = arith.constant 100000 : i32
    %lt3A_211 = arith.cmpi slt, %add3A_209, %lt3A_210 : i32
    %convert_element_type3A_212 = arith.extui %lt3A_211 : i1 to i32
    %cond3A_213 = arith.constant 0 : i32
    %cond3A_214 = arith.cmpi ne, %convert_element_type3A_212, %cond3A_213 : i32
    scf.if %cond3A_214 {
      %add3A_703 = arith.constant 768 : i32
      %add3A_704 = arith.addi %multiple_of3A, %add3A_703 : i32
      %min3A_705 = arith.constant 99872 : i32
      %min3A_706 = arith.minsi %add3A_704, %min3A_705 : i32
      %dma_start3A_707 = arith.constant 0 : i32
      %dma_start3A_708 = tpu.memref_slice %arg4[%min3A_706, %dma_start3A_707] : memref<100000x128xf32, #tpu.memory_space<hbm>> -> memref<128x128xf32, #tpu.memory_space<hbm>>
      %dma_start3A_709 = arith.constant 0 : i32
      %dma_start3A_710 = tpu.memref_slice %arg4[%min3A_706, %dma_start3A_709] : memref<100000x128xf32, #tpu.memory_space<hbm>> -> memref<128x128xf32, #tpu.memory_space<hbm>>
      tpu.enqueue_dma source(%arg8 : memref<128x128xf32, #tpu.memory_space<vmem>>) target(%dma_start3A_710 : memref<128x128xf32, #tpu.memory_space<hbm>>) target_semaphore(%arg18 : memref<!tpu.dma_semaphore, #tpu.memory_space<semaphore_mem>>)
    } else {
    }
    %add3A_215 = arith.constant 640 : i32
    %add3A_216 = arith.addi %multiple_of3A, %add3A_215 : i32
    %lt3A_217 = arith.constant 100000 : i32
    %lt3A_218 = arith.cmpi slt, %add3A_216, %lt3A_217 : i32
    %convert_element_type3A_219 = arith.extui %lt3A_218 : i1 to i32
    %cond3A_220 = arith.constant 0 : i32
    %cond3A_221 = arith.cmpi ne, %convert_element_type3A_219, %cond3A_220 : i32
    scf.if %cond3A_221 {
      %add3A_703 = arith.constant 640 : i32
      %add3A_704 = arith.addi %multiple_of3A, %add3A_703 : i32
      %min3A_705 = arith.constant 99872 : i32
      %min3A_706 = arith.minsi %add3A_704, %min3A_705 : i32
      %dma_wait3A_707 = arith.constant 0 : i32
      %dma_wait3A_708 = tpu.memref_slice %arg4[%min3A_706, %dma_wait3A_707] : memref<100000x128xf32, #tpu.memory_space<hbm>> -> memref<128x128xf32, #tpu.memory_space<hbm>>
      %dma_wait3A_709 = arith.constant 0 : i32
      %dma_wait3A_710 = tpu.memref_slice %arg4[%min3A_706, %dma_wait3A_709] : memref<100000x128xf32, #tpu.memory_space<hbm>> -> memref<128x128xf32, #tpu.memory_space<hbm>>
      tpu.wait_dma2 semaphore(%arg17 : memref<!tpu.dma_semaphore, #tpu.memory_space<semaphore_mem>>) src(%arg7 : memref<128x128xf32, #tpu.memory_space<vmem>>) dst(%dma_wait3A_710 : memref<128x128xf32, #tpu.memory_space<hbm>>)
    } else {
    }
    %add3A_222 = arith.constant 1280 : i32
    %add3A_223 = arith.addi %multiple_of3A, %add3A_222 : i32
    %min3A_224 = arith.constant 99872 : i32
    %min3A_225 = arith.minsi %add3A_223, %min3A_224 : i32
    %sub3A_226 = arith.subi %min3A_225, %multiple_of3A : i32
    %multiple_of3A_227 = tpu.assume_multiple %sub3A_226, 8 : i32
    %dma_start3A_228 = tpu.memref_slice %arg5[%multiple_of3A_227] : memref<3200xi32, #tpu.memory_space<vmem>> -> memref<128xi32, #tpu.memory_space<vmem>>
    %dma_start3A_229 = arith.constant 0 : i32
    %dma_start3A_230 = arith.constant 0 : i32
    %dma_start3A_231 = tpu.memref_slice %arg6[%dma_start3A_229, %dma_start3A_230] : memref<84x128xf32, #tpu.memory_space<vmem_shared>> -> memref<84x128xf32, #tpu.memory_space<vmem_shared>>
    tpu.enqueue_indirect_dma source(%dma_start3A_231 : memref<84x128xf32, #tpu.memory_space<vmem_shared>>) target(%arg7 : memref<128x128xf32, #tpu.memory_space<vmem>>) offsets(%dma_start3A_228 : memref<128xi32, #tpu.memory_space<vmem>>) semaphore(%arg12 : memref<!tpu.dma_semaphore, #tpu.memory_space<semaphore_mem>>)
    %dma_wait3A_232 = tpu.memref_slice %arg5[%multiple_of3A_143] : memref<3200xi32, #tpu.memory_space<vmem>> -> memref<128xi32, #tpu.memory_space<vmem>>
    %dma_wait3A_233 = arith.constant 0 : i32
    %dma_wait3A_234 = arith.constant 0 : i32
    %dma_wait3A_235 = tpu.memref_slice %arg6[%dma_wait3A_233, %dma_wait3A_234] : memref<84x128xf32, #tpu.memory_space<vmem_shared>> -> memref<84x128xf32, #tpu.memory_space<vmem_shared>>
    tpu.wait_indirect_dma semaphore(%arg14 : memref<!tpu.dma_semaphore, #tpu.memory_space<semaphore_mem>>) src(%dma_wait3A_235 : memref<84x128xf32, #tpu.memory_space<vmem_shared>>) dst(%arg9 : memref<128x128xf32, #tpu.memory_space<vmem>>)
    %add3A_236 = arith.constant 896 : i32
    %add3A_237 = arith.addi %multiple_of3A, %add3A_236 : i32
    %lt3A_238 = arith.constant 100000 : i32
    %lt3A_239 = arith.cmpi slt, %add3A_237, %lt3A_238 : i32
    %convert_element_type3A_240 = arith.extui %lt3A_239 : i1 to i32
    %cond3A_241 = arith.constant 0 : i32
    %cond3A_242 = arith.cmpi ne, %convert_element_type3A_240, %cond3A_241 : i32
    scf.if %cond3A_242 {
      %add3A_703 = arith.constant 896 : i32
      %add3A_704 = arith.addi %multiple_of3A, %add3A_703 : i32
      %min3A_705 = arith.constant 99872 : i32
      %min3A_706 = arith.minsi %add3A_704, %min3A_705 : i32
      %dma_start3A_707 = arith.constant 0 : i32
      %dma_start3A_708 = tpu.memref_slice %arg4[%min3A_706, %dma_start3A_707] : memref<100000x128xf32, #tpu.memory_space<hbm>> -> memref<128x128xf32, #tpu.memory_space<hbm>>
      %dma_start3A_709 = arith.constant 0 : i32
      %dma_start3A_710 = tpu.memref_slice %arg4[%min3A_706, %dma_start3A_709] : memref<100000x128xf32, #tpu.memory_space<hbm>> -> memref<128x128xf32, #tpu.memory_space<hbm>>
      tpu.enqueue_dma source(%arg9 : memref<128x128xf32, #tpu.memory_space<vmem>>) target(%dma_start3A_710 : memref<128x128xf32, #tpu.memory_space<hbm>>) target_semaphore(%arg19 : memref<!tpu.dma_semaphore, #tpu.memory_space<semaphore_mem>>)
    } else {
    }
    %add3A_243 = arith.constant 768 : i32
    %add3A_244 = arith.addi %multiple_of3A, %add3A_243 : i32
    %lt3A_245 = arith.constant 100000 : i32
    %lt3A_246 = arith.cmpi slt, %add3A_244, %lt3A_245 : i32
    %convert_element_type3A_247 = arith.extui %lt3A_246 : i1 to i32
    %cond3A_248 = arith.constant 0 : i32
    %cond3A_249 = arith.cmpi ne, %convert_element_type3A_247, %cond3A_248 : i32
    scf.if %cond3A_249 {
      %add3A_703 = arith.constant 768 : i32
      %add3A_704 = arith.addi %multiple_of3A, %add3A_703 : i32
      %min3A_705 = arith.constant 99872 : i32
      %min3A_706 = arith.minsi %add3A_704, %min3A_705 : i32
      %dma_wait3A_707 = arith.constant 0 : i32
      %dma_wait3A_708 = tpu.memref_slice %arg4[%min3A_706, %dma_wait3A_707] : memref<100000x128xf32, #tpu.memory_space<hbm>> -> memref<128x128xf32, #tpu.memory_space<hbm>>
      %dma_wait3A_709 = arith.constant 0 : i32
      %dma_wait3A_710 = tpu.memref_slice %arg4[%min3A_706, %dma_wait3A_709] : memref<100000x128xf32, #tpu.memory_space<hbm>> -> memref<128x128xf32, #tpu.memory_space<hbm>>
      tpu.wait_dma2 semaphore(%arg18 : memref<!tpu.dma_semaphore, #tpu.memory_space<semaphore_mem>>) src(%arg8 : memref<128x128xf32, #tpu.memory_space<vmem>>) dst(%dma_wait3A_710 : memref<128x128xf32, #tpu.memory_space<hbm>>)
    } else {
    }
    %add3A_250 = arith.constant 1408 : i32
    %add3A_251 = arith.addi %multiple_of3A, %add3A_250 : i32
    %min3A_252 = arith.constant 99872 : i32
    %min3A_253 = arith.minsi %add3A_251, %min3A_252 : i32
    %sub3A_254 = arith.subi %min3A_253, %multiple_of3A : i32
    %multiple_of3A_255 = tpu.assume_multiple %sub3A_254, 8 : i32
    %dma_start3A_256 = tpu.memref_slice %arg5[%multiple_of3A_255] : memref<3200xi32, #tpu.memory_space<vmem>> -> memref<128xi32, #tpu.memory_space<vmem>>
    %dma_start3A_257 = arith.constant 0 : i32
    %dma_start3A_258 = arith.constant 0 : i32
    %dma_start3A_259 = tpu.memref_slice %arg6[%dma_start3A_257, %dma_start3A_258] : memref<84x128xf32, #tpu.memory_space<vmem_shared>> -> memref<84x128xf32, #tpu.memory_space<vmem_shared>>
    tpu.enqueue_indirect_dma source(%dma_start3A_259 : memref<84x128xf32, #tpu.memory_space<vmem_shared>>) target(%arg8 : memref<128x128xf32, #tpu.memory_space<vmem>>) offsets(%dma_start3A_256 : memref<128xi32, #tpu.memory_space<vmem>>) semaphore(%arg13 : memref<!tpu.dma_semaphore, #tpu.memory_space<semaphore_mem>>)
    %dma_wait3A_260 = tpu.memref_slice %arg5[%multiple_of3A_171] : memref<3200xi32, #tpu.memory_space<vmem>> -> memref<128xi32, #tpu.memory_space<vmem>>
    %dma_wait3A_261 = arith.constant 0 : i32
    %dma_wait3A_262 = arith.constant 0 : i32
    %dma_wait3A_263 = tpu.memref_slice %arg6[%dma_wait3A_261, %dma_wait3A_262] : memref<84x128xf32, #tpu.memory_space<vmem_shared>> -> memref<84x128xf32, #tpu.memory_space<vmem_shared>>
    tpu.wait_indirect_dma semaphore(%arg15 : memref<!tpu.dma_semaphore, #tpu.memory_space<semaphore_mem>>) src(%dma_wait3A_263 : memref<84x128xf32, #tpu.memory_space<vmem_shared>>) dst(%arg10 : memref<128x128xf32, #tpu.memory_space<vmem>>)
    %add3A_264 = arith.constant 1024 : i32
    %add3A_265 = arith.addi %multiple_of3A, %add3A_264 : i32
    %lt3A_266 = arith.constant 100000 : i32
    %lt3A_267 = arith.cmpi slt, %add3A_265, %lt3A_266 : i32
    %convert_element_type3A_268 = arith.extui %lt3A_267 : i1 to i32
    %cond3A_269 = arith.constant 0 : i32
    %cond3A_270 = arith.cmpi ne, %convert_element_type3A_268, %cond3A_269 : i32
    scf.if %cond3A_270 {
      %add3A_703 = arith.constant 1024 : i32
      %add3A_704 = arith.addi %multiple_of3A, %add3A_703 : i32
      %min3A_705 = arith.constant 99872 : i32
      %min3A_706 = arith.minsi %add3A_704, %min3A_705 : i32
      %dma_start3A_707 = arith.constant 0 : i32
      %dma_start3A_708 = tpu.memref_slice %arg4[%min3A_706, %dma_start3A_707] : memref<100000x128xf32, #tpu.memory_space<hbm>> -> memref<128x128xf32, #tpu.memory_space<hbm>>
      %dma_start3A_709 = arith.constant 0 : i32
      %dma_start3A_710 = tpu.memref_slice %arg4[%min3A_706, %dma_start3A_709] : memref<100000x128xf32, #tpu.memory_space<hbm>> -> memref<128x128xf32, #tpu.memory_space<hbm>>
      tpu.enqueue_dma source(%arg10 : memref<128x128xf32, #tpu.memory_space<vmem>>) target(%dma_start3A_710 : memref<128x128xf32, #tpu.memory_space<hbm>>) target_semaphore(%arg20 : memref<!tpu.dma_semaphore, #tpu.memory_space<semaphore_mem>>)
    } else {
    }
    %add3A_271 = arith.constant 896 : i32
    %add3A_272 = arith.addi %multiple_of3A, %add3A_271 : i32
    %lt3A_273 = arith.constant 100000 : i32
    %lt3A_274 = arith.cmpi slt, %add3A_272, %lt3A_273 : i32
    %convert_element_type3A_275 = arith.extui %lt3A_274 : i1 to i32
    %cond3A_276 = arith.constant 0 : i32
    %cond3A_277 = arith.cmpi ne, %convert_element_type3A_275, %cond3A_276 : i32
    scf.if %cond3A_277 {
      %add3A_703 = arith.constant 896 : i32
      %add3A_704 = arith.addi %multiple_of3A, %add3A_703 : i32
      %min3A_705 = arith.constant 99872 : i32
      %min3A_706 = arith.minsi %add3A_704, %min3A_705 : i32
      %dma_wait3A_707 = arith.constant 0 : i32
      %dma_wait3A_708 = tpu.memref_slice %arg4[%min3A_706, %dma_wait3A_707] : memref<100000x128xf32, #tpu.memory_space<hbm>> -> memref<128x128xf32, #tpu.memory_space<hbm>>
      %dma_wait3A_709 = arith.constant 0 : i32
      %dma_wait3A_710 = tpu.memref_slice %arg4[%min3A_706, %dma_wait3A_709] : memref<100000x128xf32, #tpu.memory_space<hbm>> -> memref<128x128xf32, #tpu.memory_space<hbm>>
      tpu.wait_dma2 semaphore(%arg19 : memref<!tpu.dma_semaphore, #tpu.memory_space<semaphore_mem>>) src(%arg9 : memref<128x128xf32, #tpu.memory_space<vmem>>) dst(%dma_wait3A_710 : memref<128x128xf32, #tpu.memory_space<hbm>>)
    } else {
    }
    %add3A_278 = arith.constant 1536 : i32
    %add3A_279 = arith.addi %multiple_of3A, %add3A_278 : i32
    %min3A_280 = arith.constant 99872 : i32
    %min3A_281 = arith.minsi %add3A_279, %min3A_280 : i32
    %sub3A_282 = arith.subi %min3A_281, %multiple_of3A : i32
    %multiple_of3A_283 = tpu.assume_multiple %sub3A_282, 8 : i32
    %dma_start3A_284 = tpu.memref_slice %arg5[%multiple_of3A_283] : memref<3200xi32, #tpu.memory_space<vmem>> -> memref<128xi32, #tpu.memory_space<vmem>>
    %dma_start3A_285 = arith.constant 0 : i32
    %dma_start3A_286 = arith.constant 0 : i32
    %dma_start3A_287 = tpu.memref_slice %arg6[%dma_start3A_285, %dma_start3A_286] : memref<84x128xf32, #tpu.memory_space<vmem_shared>> -> memref<84x128xf32, #tpu.memory_space<vmem_shared>>
    tpu.enqueue_indirect_dma source(%dma_start3A_287 : memref<84x128xf32, #tpu.memory_space<vmem_shared>>) target(%arg9 : memref<128x128xf32, #tpu.memory_space<vmem>>) offsets(%dma_start3A_284 : memref<128xi32, #tpu.memory_space<vmem>>) semaphore(%arg14 : memref<!tpu.dma_semaphore, #tpu.memory_space<semaphore_mem>>)
    %dma_wait3A_288 = tpu.memref_slice %arg5[%multiple_of3A_199] : memref<3200xi32, #tpu.memory_space<vmem>> -> memref<128xi32, #tpu.memory_space<vmem>>
    %dma_wait3A_289 = arith.constant 0 : i32
    %dma_wait3A_290 = arith.constant 0 : i32
    %dma_wait3A_291 = tpu.memref_slice %arg6[%dma_wait3A_289, %dma_wait3A_290] : memref<84x128xf32, #tpu.memory_space<vmem_shared>> -> memref<84x128xf32, #tpu.memory_space<vmem_shared>>
    tpu.wait_indirect_dma semaphore(%arg16 : memref<!tpu.dma_semaphore, #tpu.memory_space<semaphore_mem>>) src(%dma_wait3A_291 : memref<84x128xf32, #tpu.memory_space<vmem_shared>>) dst(%arg11 : memref<128x128xf32, #tpu.memory_space<vmem>>)
    %add3A_292 = arith.constant 1152 : i32
    %add3A_293 = arith.addi %multiple_of3A, %add3A_292 : i32
    %lt3A_294 = arith.constant 100000 : i32
    %lt3A_295 = arith.cmpi slt, %add3A_293, %lt3A_294 : i32
    %convert_element_type3A_296 = arith.extui %lt3A_295 : i1 to i32
    %cond3A_297 = arith.constant 0 : i32
    %cond3A_298 = arith.cmpi ne, %convert_element_type3A_296, %cond3A_297 : i32
    scf.if %cond3A_298 {
      %add3A_703 = arith.constant 1152 : i32
      %add3A_704 = arith.addi %multiple_of3A, %add3A_703 : i32
      %min3A_705 = arith.constant 99872 : i32
      %min3A_706 = arith.minsi %add3A_704, %min3A_705 : i32
      %dma_start3A_707 = arith.constant 0 : i32
      %dma_start3A_708 = tpu.memref_slice %arg4[%min3A_706, %dma_start3A_707] : memref<100000x128xf32, #tpu.memory_space<hbm>> -> memref<128x128xf32, #tpu.memory_space<hbm>>
      %dma_start3A_709 = arith.constant 0 : i32
      %dma_start3A_710 = tpu.memref_slice %arg4[%min3A_706, %dma_start3A_709] : memref<100000x128xf32, #tpu.memory_space<hbm>> -> memref<128x128xf32, #tpu.memory_space<hbm>>
      tpu.enqueue_dma source(%arg11 : memref<128x128xf32, #tpu.memory_space<vmem>>) target(%dma_start3A_710 : memref<128x128xf32, #tpu.memory_space<hbm>>) target_semaphore(%arg21 : memref<!tpu.dma_semaphore, #tpu.memory_space<semaphore_mem>>)
    } else {
    }
    %add3A_299 = arith.constant 1024 : i32
    %add3A_300 = arith.addi %multiple_of3A, %add3A_299 : i32
    %lt3A_301 = arith.constant 100000 : i32
    %lt3A_302 = arith.cmpi slt, %add3A_300, %lt3A_301 : i32
    %convert_element_type3A_303 = arith.extui %lt3A_302 : i1 to i32
    %cond3A_304 = arith.constant 0 : i32
    %cond3A_305 = arith.cmpi ne, %convert_element_type3A_303, %cond3A_304 : i32
    scf.if %cond3A_305 {
      %add3A_703 = arith.constant 1024 : i32
      %add3A_704 = arith.addi %multiple_of3A, %add3A_703 : i32
      %min3A_705 = arith.constant 99872 : i32
      %min3A_706 = arith.minsi %add3A_704, %min3A_705 : i32
      %dma_wait3A_707 = arith.constant 0 : i32
      %dma_wait3A_708 = tpu.memref_slice %arg4[%min3A_706, %dma_wait3A_707] : memref<100000x128xf32, #tpu.memory_space<hbm>> -> memref<128x128xf32, #tpu.memory_space<hbm>>
      %dma_wait3A_709 = arith.constant 0 : i32
      %dma_wait3A_710 = tpu.memref_slice %arg4[%min3A_706, %dma_wait3A_709] : memref<100000x128xf32, #tpu.memory_space<hbm>> -> memref<128x128xf32, #tpu.memory_space<hbm>>
      tpu.wait_dma2 semaphore(%arg20 : memref<!tpu.dma_semaphore, #tpu.memory_space<semaphore_mem>>) src(%arg10 : memref<128x128xf32, #tpu.memory_space<vmem>>) dst(%dma_wait3A_710 : memref<128x128xf32, #tpu.memory_space<hbm>>)
    } else {
    }
    %add3A_306 = arith.constant 1664 : i32
    %add3A_307 = arith.addi %multiple_of3A, %add3A_306 : i32
    %min3A_308 = arith.constant 99872 : i32
    %min3A_309 = arith.minsi %add3A_307, %min3A_308 : i32
    %sub3A_310 = arith.subi %min3A_309, %multiple_of3A : i32
    %multiple_of3A_311 = tpu.assume_multiple %sub3A_310, 8 : i32
    %dma_start3A_312 = tpu.memref_slice %arg5[%multiple_of3A_311] : memref<3200xi32, #tpu.memory_space<vmem>> -> memref<128xi32, #tpu.memory_space<vmem>>
    %dma_start3A_313 = arith.constant 0 : i32
    %dma_start3A_314 = arith.constant 0 : i32
    %dma_start3A_315 = tpu.memref_slice %arg6[%dma_start3A_313, %dma_start3A_314] : memref<84x128xf32, #tpu.memory_space<vmem_shared>> -> memref<84x128xf32, #tpu.memory_space<vmem_shared>>
    tpu.enqueue_indirect_dma source(%dma_start3A_315 : memref<84x128xf32, #tpu.memory_space<vmem_shared>>) target(%arg10 : memref<128x128xf32, #tpu.memory_space<vmem>>) offsets(%dma_start3A_312 : memref<128xi32, #tpu.memory_space<vmem>>) semaphore(%arg15 : memref<!tpu.dma_semaphore, #tpu.memory_space<semaphore_mem>>)
    %dma_wait3A_316 = tpu.memref_slice %arg5[%multiple_of3A_227] : memref<3200xi32, #tpu.memory_space<vmem>> -> memref<128xi32, #tpu.memory_space<vmem>>
    %dma_wait3A_317 = arith.constant 0 : i32
    %dma_wait3A_318 = arith.constant 0 : i32
    %dma_wait3A_319 = tpu.memref_slice %arg6[%dma_wait3A_317, %dma_wait3A_318] : memref<84x128xf32, #tpu.memory_space<vmem_shared>> -> memref<84x128xf32, #tpu.memory_space<vmem_shared>>
    tpu.wait_indirect_dma semaphore(%arg12 : memref<!tpu.dma_semaphore, #tpu.memory_space<semaphore_mem>>) src(%dma_wait3A_319 : memref<84x128xf32, #tpu.memory_space<vmem_shared>>) dst(%arg7 : memref<128x128xf32, #tpu.memory_space<vmem>>)
    %add3A_320 = arith.constant 1280 : i32
    %add3A_321 = arith.addi %multiple_of3A, %add3A_320 : i32
    %lt3A_322 = arith.constant 100000 : i32
    %lt3A_323 = arith.cmpi slt, %add3A_321, %lt3A_322 : i32
    %convert_element_type3A_324 = arith.extui %lt3A_323 : i1 to i32
    %cond3A_325 = arith.constant 0 : i32
    %cond3A_326 = arith.cmpi ne, %convert_element_type3A_324, %cond3A_325 : i32
    scf.if %cond3A_326 {
      %add3A_703 = arith.constant 1280 : i32
      %add3A_704 = arith.addi %multiple_of3A, %add3A_703 : i32
      %min3A_705 = arith.constant 99872 : i32
      %min3A_706 = arith.minsi %add3A_704, %min3A_705 : i32
      %dma_start3A_707 = arith.constant 0 : i32
      %dma_start3A_708 = tpu.memref_slice %arg4[%min3A_706, %dma_start3A_707] : memref<100000x128xf32, #tpu.memory_space<hbm>> -> memref<128x128xf32, #tpu.memory_space<hbm>>
      %dma_start3A_709 = arith.constant 0 : i32
      %dma_start3A_710 = tpu.memref_slice %arg4[%min3A_706, %dma_start3A_709] : memref<100000x128xf32, #tpu.memory_space<hbm>> -> memref<128x128xf32, #tpu.memory_space<hbm>>
      tpu.enqueue_dma source(%arg7 : memref<128x128xf32, #tpu.memory_space<vmem>>) target(%dma_start3A_710 : memref<128x128xf32, #tpu.memory_space<hbm>>) target_semaphore(%arg17 : memref<!tpu.dma_semaphore, #tpu.memory_space<semaphore_mem>>)
    } else {
    }
    %add3A_327 = arith.constant 1152 : i32
    %add3A_328 = arith.addi %multiple_of3A, %add3A_327 : i32
    %lt3A_329 = arith.constant 100000 : i32
    %lt3A_330 = arith.cmpi slt, %add3A_328, %lt3A_329 : i32
    %convert_element_type3A_331 = arith.extui %lt3A_330 : i1 to i32
    %cond3A_332 = arith.constant 0 : i32
    %cond3A_333 = arith.cmpi ne, %convert_element_type3A_331, %cond3A_332 : i32
    scf.if %cond3A_333 {
      %add3A_703 = arith.constant 1152 : i32
      %add3A_704 = arith.addi %multiple_of3A, %add3A_703 : i32
      %min3A_705 = arith.constant 99872 : i32
      %min3A_706 = arith.minsi %add3A_704, %min3A_705 : i32
      %dma_wait3A_707 = arith.constant 0 : i32
      %dma_wait3A_708 = tpu.memref_slice %arg4[%min3A_706, %dma_wait3A_707] : memref<100000x128xf32, #tpu.memory_space<hbm>> -> memref<128x128xf32, #tpu.memory_space<hbm>>
      %dma_wait3A_709 = arith.constant 0 : i32
      %dma_wait3A_710 = tpu.memref_slice %arg4[%min3A_706, %dma_wait3A_709] : memref<100000x128xf32, #tpu.memory_space<hbm>> -> memref<128x128xf32, #tpu.memory_space<hbm>>
      tpu.wait_dma2 semaphore(%arg21 : memref<!tpu.dma_semaphore, #tpu.memory_space<semaphore_mem>>) src(%arg11 : memref<128x128xf32, #tpu.memory_space<vmem>>) dst(%dma_wait3A_710 : memref<128x128xf32, #tpu.memory_space<hbm>>)
    } else {
    }
    %add3A_334 = arith.constant 1792 : i32
    %add3A_335 = arith.addi %multiple_of3A, %add3A_334 : i32
    %min3A_336 = arith.constant 99872 : i32
    %min3A_337 = arith.minsi %add3A_335, %min3A_336 : i32
    %sub3A_338 = arith.subi %min3A_337, %multiple_of3A : i32
    %multiple_of3A_339 = tpu.assume_multiple %sub3A_338, 8 : i32
    %dma_start3A_340 = tpu.memref_slice %arg5[%multiple_of3A_339] : memref<3200xi32, #tpu.memory_space<vmem>> -> memref<128xi32, #tpu.memory_space<vmem>>
    %dma_start3A_341 = arith.constant 0 : i32
    %dma_start3A_342 = arith.constant 0 : i32
    %dma_start3A_343 = tpu.memref_slice %arg6[%dma_start3A_341, %dma_start3A_342] : memref<84x128xf32, #tpu.memory_space<vmem_shared>> -> memref<84x128xf32, #tpu.memory_space<vmem_shared>>
    tpu.enqueue_indirect_dma source(%dma_start3A_343 : memref<84x128xf32, #tpu.memory_space<vmem_shared>>) target(%arg11 : memref<128x128xf32, #tpu.memory_space<vmem>>) offsets(%dma_start3A_340 : memref<128xi32, #tpu.memory_space<vmem>>) semaphore(%arg16 : memref<!tpu.dma_semaphore, #tpu.memory_space<semaphore_mem>>)
    %dma_wait3A_344 = tpu.memref_slice %arg5[%multiple_of3A_255] : memref<3200xi32, #tpu.memory_space<vmem>> -> memref<128xi32, #tpu.memory_space<vmem>>
    %dma_wait3A_345 = arith.constant 0 : i32
    %dma_wait3A_346 = arith.constant 0 : i32
    %dma_wait3A_347 = tpu.memref_slice %arg6[%dma_wait3A_345, %dma_wait3A_346] : memref<84x128xf32, #tpu.memory_space<vmem_shared>> -> memref<84x128xf32, #tpu.memory_space<vmem_shared>>
    tpu.wait_indirect_dma semaphore(%arg13 : memref<!tpu.dma_semaphore, #tpu.memory_space<semaphore_mem>>) src(%dma_wait3A_347 : memref<84x128xf32, #tpu.memory_space<vmem_shared>>) dst(%arg8 : memref<128x128xf32, #tpu.memory_space<vmem>>)
    %add3A_348 = arith.constant 1408 : i32
    %add3A_349 = arith.addi %multiple_of3A, %add3A_348 : i32
    %lt3A_350 = arith.constant 100000 : i32
    %lt3A_351 = arith.cmpi slt, %add3A_349, %lt3A_350 : i32
    %convert_element_type3A_352 = arith.extui %lt3A_351 : i1 to i32
    %cond3A_353 = arith.constant 0 : i32
    %cond3A_354 = arith.cmpi ne, %convert_element_type3A_352, %cond3A_353 : i32
    scf.if %cond3A_354 {
      %add3A_703 = arith.constant 1408 : i32
      %add3A_704 = arith.addi %multiple_of3A, %add3A_703 : i32
      %min3A_705 = arith.constant 99872 : i32
      %min3A_706 = arith.minsi %add3A_704, %min3A_705 : i32
      %dma_start3A_707 = arith.constant 0 : i32
      %dma_start3A_708 = tpu.memref_slice %arg4[%min3A_706, %dma_start3A_707] : memref<100000x128xf32, #tpu.memory_space<hbm>> -> memref<128x128xf32, #tpu.memory_space<hbm>>
      %dma_start3A_709 = arith.constant 0 : i32
      %dma_start3A_710 = tpu.memref_slice %arg4[%min3A_706, %dma_start3A_709] : memref<100000x128xf32, #tpu.memory_space<hbm>> -> memref<128x128xf32, #tpu.memory_space<hbm>>
      tpu.enqueue_dma source(%arg8 : memref<128x128xf32, #tpu.memory_space<vmem>>) target(%dma_start3A_710 : memref<128x128xf32, #tpu.memory_space<hbm>>) target_semaphore(%arg18 : memref<!tpu.dma_semaphore, #tpu.memory_space<semaphore_mem>>)
    } else {
    }
    %add3A_355 = arith.constant 1280 : i32
    %add3A_356 = arith.addi %multiple_of3A, %add3A_355 : i32
    %lt3A_357 = arith.constant 100000 : i32
    %lt3A_358 = arith.cmpi slt, %add3A_356, %lt3A_357 : i32
    %convert_element_type3A_359 = arith.extui %lt3A_358 : i1 to i32
    %cond3A_360 = arith.constant 0 : i32
    %cond3A_361 = arith.cmpi ne, %convert_element_type3A_359, %cond3A_360 : i32
    scf.if %cond3A_361 {
      %add3A_703 = arith.constant 1280 : i32
      %add3A_704 = arith.addi %multiple_of3A, %add3A_703 : i32
      %min3A_705 = arith.constant 99872 : i32
      %min3A_706 = arith.minsi %add3A_704, %min3A_705 : i32
      %dma_wait3A_707 = arith.constant 0 : i32
      %dma_wait3A_708 = tpu.memref_slice %arg4[%min3A_706, %dma_wait3A_707] : memref<100000x128xf32, #tpu.memory_space<hbm>> -> memref<128x128xf32, #tpu.memory_space<hbm>>
      %dma_wait3A_709 = arith.constant 0 : i32
      %dma_wait3A_710 = tpu.memref_slice %arg4[%min3A_706, %dma_wait3A_709] : memref<100000x128xf32, #tpu.memory_space<hbm>> -> memref<128x128xf32, #tpu.memory_space<hbm>>
      tpu.wait_dma2 semaphore(%arg17 : memref<!tpu.dma_semaphore, #tpu.memory_space<semaphore_mem>>) src(%arg7 : memref<128x128xf32, #tpu.memory_space<vmem>>) dst(%dma_wait3A_710 : memref<128x128xf32, #tpu.memory_space<hbm>>)
    } else {
    }
    %add3A_362 = arith.constant 1920 : i32
    %add3A_363 = arith.addi %multiple_of3A, %add3A_362 : i32
    %min3A_364 = arith.constant 99872 : i32
    %min3A_365 = arith.minsi %add3A_363, %min3A_364 : i32
    %sub3A_366 = arith.subi %min3A_365, %multiple_of3A : i32
    %multiple_of3A_367 = tpu.assume_multiple %sub3A_366, 8 : i32
    %dma_start3A_368 = tpu.memref_slice %arg5[%multiple_of3A_367] : memref<3200xi32, #tpu.memory_space<vmem>> -> memref<128xi32, #tpu.memory_space<vmem>>
    %dma_start3A_369 = arith.constant 0 : i32
    %dma_start3A_370 = arith.constant 0 : i32
    %dma_start3A_371 = tpu.memref_slice %arg6[%dma_start3A_369, %dma_start3A_370] : memref<84x128xf32, #tpu.memory_space<vmem_shared>> -> memref<84x128xf32, #tpu.memory_space<vmem_shared>>
    tpu.enqueue_indirect_dma source(%dma_start3A_371 : memref<84x128xf32, #tpu.memory_space<vmem_shared>>) target(%arg7 : memref<128x128xf32, #tpu.memory_space<vmem>>) offsets(%dma_start3A_368 : memref<128xi32, #tpu.memory_space<vmem>>) semaphore(%arg12 : memref<!tpu.dma_semaphore, #tpu.memory_space<semaphore_mem>>)
    %dma_wait3A_372 = tpu.memref_slice %arg5[%multiple_of3A_283] : memref<3200xi32, #tpu.memory_space<vmem>> -> memref<128xi32, #tpu.memory_space<vmem>>
    %dma_wait3A_373 = arith.constant 0 : i32
    %dma_wait3A_374 = arith.constant 0 : i32
    %dma_wait3A_375 = tpu.memref_slice %arg6[%dma_wait3A_373, %dma_wait3A_374] : memref<84x128xf32, #tpu.memory_space<vmem_shared>> -> memref<84x128xf32, #tpu.memory_space<vmem_shared>>
    tpu.wait_indirect_dma semaphore(%arg14 : memref<!tpu.dma_semaphore, #tpu.memory_space<semaphore_mem>>) src(%dma_wait3A_375 : memref<84x128xf32, #tpu.memory_space<vmem_shared>>) dst(%arg9 : memref<128x128xf32, #tpu.memory_space<vmem>>)
    %add3A_376 = arith.constant 1536 : i32
    %add3A_377 = arith.addi %multiple_of3A, %add3A_376 : i32
    %lt3A_378 = arith.constant 100000 : i32
    %lt3A_379 = arith.cmpi slt, %add3A_377, %lt3A_378 : i32
    %convert_element_type3A_380 = arith.extui %lt3A_379 : i1 to i32
    %cond3A_381 = arith.constant 0 : i32
    %cond3A_382 = arith.cmpi ne, %convert_element_type3A_380, %cond3A_381 : i32
    scf.if %cond3A_382 {
      %add3A_703 = arith.constant 1536 : i32
      %add3A_704 = arith.addi %multiple_of3A, %add3A_703 : i32
      %min3A_705 = arith.constant 99872 : i32
      %min3A_706 = arith.minsi %add3A_704, %min3A_705 : i32
      %dma_start3A_707 = arith.constant 0 : i32
      %dma_start3A_708 = tpu.memref_slice %arg4[%min3A_706, %dma_start3A_707] : memref<100000x128xf32, #tpu.memory_space<hbm>> -> memref<128x128xf32, #tpu.memory_space<hbm>>
      %dma_start3A_709 = arith.constant 0 : i32
      %dma_start3A_710 = tpu.memref_slice %arg4[%min3A_706, %dma_start3A_709] : memref<100000x128xf32, #tpu.memory_space<hbm>> -> memref<128x128xf32, #tpu.memory_space<hbm>>
      tpu.enqueue_dma source(%arg9 : memref<128x128xf32, #tpu.memory_space<vmem>>) target(%dma_start3A_710 : memref<128x128xf32, #tpu.memory_space<hbm>>) target_semaphore(%arg19 : memref<!tpu.dma_semaphore, #tpu.memory_space<semaphore_mem>>)
    } else {
    }
    %add3A_383 = arith.constant 1408 : i32
    %add3A_384 = arith.addi %multiple_of3A, %add3A_383 : i32
    %lt3A_385 = arith.constant 100000 : i32
    %lt3A_386 = arith.cmpi slt, %add3A_384, %lt3A_385 : i32
    %convert_element_type3A_387 = arith.extui %lt3A_386 : i1 to i32
    %cond3A_388 = arith.constant 0 : i32
    %cond3A_389 = arith.cmpi ne, %convert_element_type3A_387, %cond3A_388 : i32
    scf.if %cond3A_389 {
      %add3A_703 = arith.constant 1408 : i32
      %add3A_704 = arith.addi %multiple_of3A, %add3A_703 : i32
      %min3A_705 = arith.constant 99872 : i32
      %min3A_706 = arith.minsi %add3A_704, %min3A_705 : i32
      %dma_wait3A_707 = arith.constant 0 : i32
      %dma_wait3A_708 = tpu.memref_slice %arg4[%min3A_706, %dma_wait3A_707] : memref<100000x128xf32, #tpu.memory_space<hbm>> -> memref<128x128xf32, #tpu.memory_space<hbm>>
      %dma_wait3A_709 = arith.constant 0 : i32
      %dma_wait3A_710 = tpu.memref_slice %arg4[%min3A_706, %dma_wait3A_709] : memref<100000x128xf32, #tpu.memory_space<hbm>> -> memref<128x128xf32, #tpu.memory_space<hbm>>
      tpu.wait_dma2 semaphore(%arg18 : memref<!tpu.dma_semaphore, #tpu.memory_space<semaphore_mem>>) src(%arg8 : memref<128x128xf32, #tpu.memory_space<vmem>>) dst(%dma_wait3A_710 : memref<128x128xf32, #tpu.memory_space<hbm>>)
    } else {
    }
    %add3A_390 = arith.constant 2048 : i32
    %add3A_391 = arith.addi %multiple_of3A, %add3A_390 : i32
    %min3A_392 = arith.constant 99872 : i32
    %min3A_393 = arith.minsi %add3A_391, %min3A_392 : i32
    %sub3A_394 = arith.subi %min3A_393, %multiple_of3A : i32
    %multiple_of3A_395 = tpu.assume_multiple %sub3A_394, 8 : i32
    %dma_start3A_396 = tpu.memref_slice %arg5[%multiple_of3A_395] : memref<3200xi32, #tpu.memory_space<vmem>> -> memref<128xi32, #tpu.memory_space<vmem>>
    %dma_start3A_397 = arith.constant 0 : i32
    %dma_start3A_398 = arith.constant 0 : i32
    %dma_start3A_399 = tpu.memref_slice %arg6[%dma_start3A_397, %dma_start3A_398] : memref<84x128xf32, #tpu.memory_space<vmem_shared>> -> memref<84x128xf32, #tpu.memory_space<vmem_shared>>
    tpu.enqueue_indirect_dma source(%dma_start3A_399 : memref<84x128xf32, #tpu.memory_space<vmem_shared>>) target(%arg8 : memref<128x128xf32, #tpu.memory_space<vmem>>) offsets(%dma_start3A_396 : memref<128xi32, #tpu.memory_space<vmem>>) semaphore(%arg13 : memref<!tpu.dma_semaphore, #tpu.memory_space<semaphore_mem>>)
    %dma_wait3A_400 = tpu.memref_slice %arg5[%multiple_of3A_311] : memref<3200xi32, #tpu.memory_space<vmem>> -> memref<128xi32, #tpu.memory_space<vmem>>
    %dma_wait3A_401 = arith.constant 0 : i32
    %dma_wait3A_402 = arith.constant 0 : i32
    %dma_wait3A_403 = tpu.memref_slice %arg6[%dma_wait3A_401, %dma_wait3A_402] : memref<84x128xf32, #tpu.memory_space<vmem_shared>> -> memref<84x128xf32, #tpu.memory_space<vmem_shared>>
    tpu.wait_indirect_dma semaphore(%arg15 : memref<!tpu.dma_semaphore, #tpu.memory_space<semaphore_mem>>) src(%dma_wait3A_403 : memref<84x128xf32, #tpu.memory_space<vmem_shared>>) dst(%arg10 : memref<128x128xf32, #tpu.memory_space<vmem>>)
    %add3A_404 = arith.constant 1664 : i32
    %add3A_405 = arith.addi %multiple_of3A, %add3A_404 : i32
    %lt3A_406 = arith.constant 100000 : i32
    %lt3A_407 = arith.cmpi slt, %add3A_405, %lt3A_406 : i32
    %convert_element_type3A_408 = arith.extui %lt3A_407 : i1 to i32
    %cond3A_409 = arith.constant 0 : i32
    %cond3A_410 = arith.cmpi ne, %convert_element_type3A_408, %cond3A_409 : i32
    scf.if %cond3A_410 {
      %add3A_703 = arith.constant 1664 : i32
      %add3A_704 = arith.addi %multiple_of3A, %add3A_703 : i32
      %min3A_705 = arith.constant 99872 : i32
      %min3A_706 = arith.minsi %add3A_704, %min3A_705 : i32
      %dma_start3A_707 = arith.constant 0 : i32
      %dma_start3A_708 = tpu.memref_slice %arg4[%min3A_706, %dma_start3A_707] : memref<100000x128xf32, #tpu.memory_space<hbm>> -> memref<128x128xf32, #tpu.memory_space<hbm>>
      %dma_start3A_709 = arith.constant 0 : i32
      %dma_start3A_710 = tpu.memref_slice %arg4[%min3A_706, %dma_start3A_709] : memref<100000x128xf32, #tpu.memory_space<hbm>> -> memref<128x128xf32, #tpu.memory_space<hbm>>
      tpu.enqueue_dma source(%arg10 : memref<128x128xf32, #tpu.memory_space<vmem>>) target(%dma_start3A_710 : memref<128x128xf32, #tpu.memory_space<hbm>>) target_semaphore(%arg20 : memref<!tpu.dma_semaphore, #tpu.memory_space<semaphore_mem>>)
    } else {
    }
    %add3A_411 = arith.constant 1536 : i32
    %add3A_412 = arith.addi %multiple_of3A, %add3A_411 : i32
    %lt3A_413 = arith.constant 100000 : i32
    %lt3A_414 = arith.cmpi slt, %add3A_412, %lt3A_413 : i32
    %convert_element_type3A_415 = arith.extui %lt3A_414 : i1 to i32
    %cond3A_416 = arith.constant 0 : i32
    %cond3A_417 = arith.cmpi ne, %convert_element_type3A_415, %cond3A_416 : i32
    scf.if %cond3A_417 {
      %add3A_703 = arith.constant 1536 : i32
      %add3A_704 = arith.addi %multiple_of3A, %add3A_703 : i32
      %min3A_705 = arith.constant 99872 : i32
      %min3A_706 = arith.minsi %add3A_704, %min3A_705 : i32
      %dma_wait3A_707 = arith.constant 0 : i32
      %dma_wait3A_708 = tpu.memref_slice %arg4[%min3A_706, %dma_wait3A_707] : memref<100000x128xf32, #tpu.memory_space<hbm>> -> memref<128x128xf32, #tpu.memory_space<hbm>>
      %dma_wait3A_709 = arith.constant 0 : i32
      %dma_wait3A_710 = tpu.memref_slice %arg4[%min3A_706, %dma_wait3A_709] : memref<100000x128xf32, #tpu.memory_space<hbm>> -> memref<128x128xf32, #tpu.memory_space<hbm>>
      tpu.wait_dma2 semaphore(%arg19 : memref<!tpu.dma_semaphore, #tpu.memory_space<semaphore_mem>>) src(%arg9 : memref<128x128xf32, #tpu.memory_space<vmem>>) dst(%dma_wait3A_710 : memref<128x128xf32, #tpu.memory_space<hbm>>)
    } else {
    }
    %add3A_418 = arith.constant 2176 : i32
    %add3A_419 = arith.addi %multiple_of3A, %add3A_418 : i32
    %min3A_420 = arith.constant 99872 : i32
    %min3A_421 = arith.minsi %add3A_419, %min3A_420 : i32
    %sub3A_422 = arith.subi %min3A_421, %multiple_of3A : i32
    %multiple_of3A_423 = tpu.assume_multiple %sub3A_422, 8 : i32
    %dma_start3A_424 = tpu.memref_slice %arg5[%multiple_of3A_423] : memref<3200xi32, #tpu.memory_space<vmem>> -> memref<128xi32, #tpu.memory_space<vmem>>
    %dma_start3A_425 = arith.constant 0 : i32
    %dma_start3A_426 = arith.constant 0 : i32
    %dma_start3A_427 = tpu.memref_slice %arg6[%dma_start3A_425, %dma_start3A_426] : memref<84x128xf32, #tpu.memory_space<vmem_shared>> -> memref<84x128xf32, #tpu.memory_space<vmem_shared>>
    tpu.enqueue_indirect_dma source(%dma_start3A_427 : memref<84x128xf32, #tpu.memory_space<vmem_shared>>) target(%arg9 : memref<128x128xf32, #tpu.memory_space<vmem>>) offsets(%dma_start3A_424 : memref<128xi32, #tpu.memory_space<vmem>>) semaphore(%arg14 : memref<!tpu.dma_semaphore, #tpu.memory_space<semaphore_mem>>)
    %dma_wait3A_428 = tpu.memref_slice %arg5[%multiple_of3A_339] : memref<3200xi32, #tpu.memory_space<vmem>> -> memref<128xi32, #tpu.memory_space<vmem>>
    %dma_wait3A_429 = arith.constant 0 : i32
    %dma_wait3A_430 = arith.constant 0 : i32
    %dma_wait3A_431 = tpu.memref_slice %arg6[%dma_wait3A_429, %dma_wait3A_430] : memref<84x128xf32, #tpu.memory_space<vmem_shared>> -> memref<84x128xf32, #tpu.memory_space<vmem_shared>>
    tpu.wait_indirect_dma semaphore(%arg16 : memref<!tpu.dma_semaphore, #tpu.memory_space<semaphore_mem>>) src(%dma_wait3A_431 : memref<84x128xf32, #tpu.memory_space<vmem_shared>>) dst(%arg11 : memref<128x128xf32, #tpu.memory_space<vmem>>)
    %add3A_432 = arith.constant 1792 : i32
    %add3A_433 = arith.addi %multiple_of3A, %add3A_432 : i32
    %lt3A_434 = arith.constant 100000 : i32
    %lt3A_435 = arith.cmpi slt, %add3A_433, %lt3A_434 : i32
    %convert_element_type3A_436 = arith.extui %lt3A_435 : i1 to i32
    %cond3A_437 = arith.constant 0 : i32
    %cond3A_438 = arith.cmpi ne, %convert_element_type3A_436, %cond3A_437 : i32
    scf.if %cond3A_438 {
      %add3A_703 = arith.constant 1792 : i32
      %add3A_704 = arith.addi %multiple_of3A, %add3A_703 : i32
      %min3A_705 = arith.constant 99872 : i32
      %min3A_706 = arith.minsi %add3A_704, %min3A_705 : i32
      %dma_start3A_707 = arith.constant 0 : i32
      %dma_start3A_708 = tpu.memref_slice %arg4[%min3A_706, %dma_start3A_707] : memref<100000x128xf32, #tpu.memory_space<hbm>> -> memref<128x128xf32, #tpu.memory_space<hbm>>
      %dma_start3A_709 = arith.constant 0 : i32
      %dma_start3A_710 = tpu.memref_slice %arg4[%min3A_706, %dma_start3A_709] : memref<100000x128xf32, #tpu.memory_space<hbm>> -> memref<128x128xf32, #tpu.memory_space<hbm>>
      tpu.enqueue_dma source(%arg11 : memref<128x128xf32, #tpu.memory_space<vmem>>) target(%dma_start3A_710 : memref<128x128xf32, #tpu.memory_space<hbm>>) target_semaphore(%arg21 : memref<!tpu.dma_semaphore, #tpu.memory_space<semaphore_mem>>)
    } else {
    }
    %add3A_439 = arith.constant 1664 : i32
    %add3A_440 = arith.addi %multiple_of3A, %add3A_439 : i32
    %lt3A_441 = arith.constant 100000 : i32
    %lt3A_442 = arith.cmpi slt, %add3A_440, %lt3A_441 : i32
    %convert_element_type3A_443 = arith.extui %lt3A_442 : i1 to i32
    %cond3A_444 = arith.constant 0 : i32
    %cond3A_445 = arith.cmpi ne, %convert_element_type3A_443, %cond3A_444 : i32
    scf.if %cond3A_445 {
      %add3A_703 = arith.constant 1664 : i32
      %add3A_704 = arith.addi %multiple_of3A, %add3A_703 : i32
      %min3A_705 = arith.constant 99872 : i32
      %min3A_706 = arith.minsi %add3A_704, %min3A_705 : i32
      %dma_wait3A_707 = arith.constant 0 : i32
      %dma_wait3A_708 = tpu.memref_slice %arg4[%min3A_706, %dma_wait3A_707] : memref<100000x128xf32, #tpu.memory_space<hbm>> -> memref<128x128xf32, #tpu.memory_space<hbm>>
      %dma_wait3A_709 = arith.constant 0 : i32
      %dma_wait3A_710 = tpu.memref_slice %arg4[%min3A_706, %dma_wait3A_709] : memref<100000x128xf32, #tpu.memory_space<hbm>> -> memref<128x128xf32, #tpu.memory_space<hbm>>
      tpu.wait_dma2 semaphore(%arg20 : memref<!tpu.dma_semaphore, #tpu.memory_space<semaphore_mem>>) src(%arg10 : memref<128x128xf32, #tpu.memory_space<vmem>>) dst(%dma_wait3A_710 : memref<128x128xf32, #tpu.memory_space<hbm>>)
    } else {
    }
    %add3A_446 = arith.constant 2304 : i32
    %add3A_447 = arith.addi %multiple_of3A, %add3A_446 : i32
    %min3A_448 = arith.constant 99872 : i32
    %min3A_449 = arith.minsi %add3A_447, %min3A_448 : i32
    %sub3A_450 = arith.subi %min3A_449, %multiple_of3A : i32
    %multiple_of3A_451 = tpu.assume_multiple %sub3A_450, 8 : i32
    %dma_start3A_452 = tpu.memref_slice %arg5[%multiple_of3A_451] : memref<3200xi32, #tpu.memory_space<vmem>> -> memref<128xi32, #tpu.memory_space<vmem>>
    %dma_start3A_453 = arith.constant 0 : i32
    %dma_start3A_454 = arith.constant 0 : i32
    %dma_start3A_455 = tpu.memref_slice %arg6[%dma_start3A_453, %dma_start3A_454] : memref<84x128xf32, #tpu.memory_space<vmem_shared>> -> memref<84x128xf32, #tpu.memory_space<vmem_shared>>
    tpu.enqueue_indirect_dma source(%dma_start3A_455 : memref<84x128xf32, #tpu.memory_space<vmem_shared>>) target(%arg10 : memref<128x128xf32, #tpu.memory_space<vmem>>) offsets(%dma_start3A_452 : memref<128xi32, #tpu.memory_space<vmem>>) semaphore(%arg15 : memref<!tpu.dma_semaphore, #tpu.memory_space<semaphore_mem>>)
    %dma_wait3A_456 = tpu.memref_slice %arg5[%multiple_of3A_367] : memref<3200xi32, #tpu.memory_space<vmem>> -> memref<128xi32, #tpu.memory_space<vmem>>
    %dma_wait3A_457 = arith.constant 0 : i32
    %dma_wait3A_458 = arith.constant 0 : i32
    %dma_wait3A_459 = tpu.memref_slice %arg6[%dma_wait3A_457, %dma_wait3A_458] : memref<84x128xf32, #tpu.memory_space<vmem_shared>> -> memref<84x128xf32, #tpu.memory_space<vmem_shared>>
    tpu.wait_indirect_dma semaphore(%arg12 : memref<!tpu.dma_semaphore, #tpu.memory_space<semaphore_mem>>) src(%dma_wait3A_459 : memref<84x128xf32, #tpu.memory_space<vmem_shared>>) dst(%arg7 : memref<128x128xf32, #tpu.memory_space<vmem>>)
    %add3A_460 = arith.constant 1920 : i32
    %add3A_461 = arith.addi %multiple_of3A, %add3A_460 : i32
    %lt3A_462 = arith.constant 100000 : i32
    %lt3A_463 = arith.cmpi slt, %add3A_461, %lt3A_462 : i32
    %convert_element_type3A_464 = arith.extui %lt3A_463 : i1 to i32
    %cond3A_465 = arith.constant 0 : i32
    %cond3A_466 = arith.cmpi ne, %convert_element_type3A_464, %cond3A_465 : i32
    scf.if %cond3A_466 {
      %add3A_703 = arith.constant 1920 : i32
      %add3A_704 = arith.addi %multiple_of3A, %add3A_703 : i32
      %min3A_705 = arith.constant 99872 : i32
      %min3A_706 = arith.minsi %add3A_704, %min3A_705 : i32
      %dma_start3A_707 = arith.constant 0 : i32
      %dma_start3A_708 = tpu.memref_slice %arg4[%min3A_706, %dma_start3A_707] : memref<100000x128xf32, #tpu.memory_space<hbm>> -> memref<128x128xf32, #tpu.memory_space<hbm>>
      %dma_start3A_709 = arith.constant 0 : i32
      %dma_start3A_710 = tpu.memref_slice %arg4[%min3A_706, %dma_start3A_709] : memref<100000x128xf32, #tpu.memory_space<hbm>> -> memref<128x128xf32, #tpu.memory_space<hbm>>
      tpu.enqueue_dma source(%arg7 : memref<128x128xf32, #tpu.memory_space<vmem>>) target(%dma_start3A_710 : memref<128x128xf32, #tpu.memory_space<hbm>>) target_semaphore(%arg17 : memref<!tpu.dma_semaphore, #tpu.memory_space<semaphore_mem>>)
    } else {
    }
    %add3A_467 = arith.constant 1792 : i32
    %add3A_468 = arith.addi %multiple_of3A, %add3A_467 : i32
    %lt3A_469 = arith.constant 100000 : i32
    %lt3A_470 = arith.cmpi slt, %add3A_468, %lt3A_469 : i32
    %convert_element_type3A_471 = arith.extui %lt3A_470 : i1 to i32
    %cond3A_472 = arith.constant 0 : i32
    %cond3A_473 = arith.cmpi ne, %convert_element_type3A_471, %cond3A_472 : i32
    scf.if %cond3A_473 {
      %add3A_703 = arith.constant 1792 : i32
      %add3A_704 = arith.addi %multiple_of3A, %add3A_703 : i32
      %min3A_705 = arith.constant 99872 : i32
      %min3A_706 = arith.minsi %add3A_704, %min3A_705 : i32
      %dma_wait3A_707 = arith.constant 0 : i32
      %dma_wait3A_708 = tpu.memref_slice %arg4[%min3A_706, %dma_wait3A_707] : memref<100000x128xf32, #tpu.memory_space<hbm>> -> memref<128x128xf32, #tpu.memory_space<hbm>>
      %dma_wait3A_709 = arith.constant 0 : i32
      %dma_wait3A_710 = tpu.memref_slice %arg4[%min3A_706, %dma_wait3A_709] : memref<100000x128xf32, #tpu.memory_space<hbm>> -> memref<128x128xf32, #tpu.memory_space<hbm>>
      tpu.wait_dma2 semaphore(%arg21 : memref<!tpu.dma_semaphore, #tpu.memory_space<semaphore_mem>>) src(%arg11 : memref<128x128xf32, #tpu.memory_space<vmem>>) dst(%dma_wait3A_710 : memref<128x128xf32, #tpu.memory_space<hbm>>)
    } else {
    }
    %add3A_474 = arith.constant 2432 : i32
    %add3A_475 = arith.addi %multiple_of3A, %add3A_474 : i32
    %min3A_476 = arith.constant 99872 : i32
    %min3A_477 = arith.minsi %add3A_475, %min3A_476 : i32
    %sub3A_478 = arith.subi %min3A_477, %multiple_of3A : i32
    %multiple_of3A_479 = tpu.assume_multiple %sub3A_478, 8 : i32
    %dma_start3A_480 = tpu.memref_slice %arg5[%multiple_of3A_479] : memref<3200xi32, #tpu.memory_space<vmem>> -> memref<128xi32, #tpu.memory_space<vmem>>
    %dma_start3A_481 = arith.constant 0 : i32
    %dma_start3A_482 = arith.constant 0 : i32
    %dma_start3A_483 = tpu.memref_slice %arg6[%dma_start3A_481, %dma_start3A_482] : memref<84x128xf32, #tpu.memory_space<vmem_shared>> -> memref<84x128xf32, #tpu.memory_space<vmem_shared>>
    tpu.enqueue_indirect_dma source(%dma_start3A_483 : memref<84x128xf32, #tpu.memory_space<vmem_shared>>) target(%arg11 : memref<128x128xf32, #tpu.memory_space<vmem>>) offsets(%dma_start3A_480 : memref<128xi32, #tpu.memory_space<vmem>>) semaphore(%arg16 : memref<!tpu.dma_semaphore, #tpu.memory_space<semaphore_mem>>)
    %dma_wait3A_484 = tpu.memref_slice %arg5[%multiple_of3A_395] : memref<3200xi32, #tpu.memory_space<vmem>> -> memref<128xi32, #tpu.memory_space<vmem>>
    %dma_wait3A_485 = arith.constant 0 : i32
    %dma_wait3A_486 = arith.constant 0 : i32
    %dma_wait3A_487 = tpu.memref_slice %arg6[%dma_wait3A_485, %dma_wait3A_486] : memref<84x128xf32, #tpu.memory_space<vmem_shared>> -> memref<84x128xf32, #tpu.memory_space<vmem_shared>>
    tpu.wait_indirect_dma semaphore(%arg13 : memref<!tpu.dma_semaphore, #tpu.memory_space<semaphore_mem>>) src(%dma_wait3A_487 : memref<84x128xf32, #tpu.memory_space<vmem_shared>>) dst(%arg8 : memref<128x128xf32, #tpu.memory_space<vmem>>)
    %add3A_488 = arith.constant 2048 : i32
    %add3A_489 = arith.addi %multiple_of3A, %add3A_488 : i32
    %lt3A_490 = arith.constant 100000 : i32
    %lt3A_491 = arith.cmpi slt, %add3A_489, %lt3A_490 : i32
    %convert_element_type3A_492 = arith.extui %lt3A_491 : i1 to i32
    %cond3A_493 = arith.constant 0 : i32
    %cond3A_494 = arith.cmpi ne, %convert_element_type3A_492, %cond3A_493 : i32
    scf.if %cond3A_494 {
      %add3A_703 = arith.constant 2048 : i32
      %add3A_704 = arith.addi %multiple_of3A, %add3A_703 : i32
      %min3A_705 = arith.constant 99872 : i32
      %min3A_706 = arith.minsi %add3A_704, %min3A_705 : i32
      %dma_start3A_707 = arith.constant 0 : i32
      %dma_start3A_708 = tpu.memref_slice %arg4[%min3A_706, %dma_start3A_707] : memref<100000x128xf32, #tpu.memory_space<hbm>> -> memref<128x128xf32, #tpu.memory_space<hbm>>
      %dma_start3A_709 = arith.constant 0 : i32
      %dma_start3A_710 = tpu.memref_slice %arg4[%min3A_706, %dma_start3A_709] : memref<100000x128xf32, #tpu.memory_space<hbm>> -> memref<128x128xf32, #tpu.memory_space<hbm>>
      tpu.enqueue_dma source(%arg8 : memref<128x128xf32, #tpu.memory_space<vmem>>) target(%dma_start3A_710 : memref<128x128xf32, #tpu.memory_space<hbm>>) target_semaphore(%arg18 : memref<!tpu.dma_semaphore, #tpu.memory_space<semaphore_mem>>)
    } else {
    }
    %add3A_495 = arith.constant 1920 : i32
    %add3A_496 = arith.addi %multiple_of3A, %add3A_495 : i32
    %lt3A_497 = arith.constant 100000 : i32
    %lt3A_498 = arith.cmpi slt, %add3A_496, %lt3A_497 : i32
    %convert_element_type3A_499 = arith.extui %lt3A_498 : i1 to i32
    %cond3A_500 = arith.constant 0 : i32
    %cond3A_501 = arith.cmpi ne, %convert_element_type3A_499, %cond3A_500 : i32
    scf.if %cond3A_501 {
      %add3A_703 = arith.constant 1920 : i32
      %add3A_704 = arith.addi %multiple_of3A, %add3A_703 : i32
      %min3A_705 = arith.constant 99872 : i32
      %min3A_706 = arith.minsi %add3A_704, %min3A_705 : i32
      %dma_wait3A_707 = arith.constant 0 : i32
      %dma_wait3A_708 = tpu.memref_slice %arg4[%min3A_706, %dma_wait3A_707] : memref<100000x128xf32, #tpu.memory_space<hbm>> -> memref<128x128xf32, #tpu.memory_space<hbm>>
      %dma_wait3A_709 = arith.constant 0 : i32
      %dma_wait3A_710 = tpu.memref_slice %arg4[%min3A_706, %dma_wait3A_709] : memref<100000x128xf32, #tpu.memory_space<hbm>> -> memref<128x128xf32, #tpu.memory_space<hbm>>
      tpu.wait_dma2 semaphore(%arg17 : memref<!tpu.dma_semaphore, #tpu.memory_space<semaphore_mem>>) src(%arg7 : memref<128x128xf32, #tpu.memory_space<vmem>>) dst(%dma_wait3A_710 : memref<128x128xf32, #tpu.memory_space<hbm>>)
    } else {
    }
    %add3A_502 = arith.constant 2560 : i32
    %add3A_503 = arith.addi %multiple_of3A, %add3A_502 : i32
    %min3A_504 = arith.constant 99872 : i32
    %min3A_505 = arith.minsi %add3A_503, %min3A_504 : i32
    %sub3A_506 = arith.subi %min3A_505, %multiple_of3A : i32
    %multiple_of3A_507 = tpu.assume_multiple %sub3A_506, 8 : i32
    %dma_start3A_508 = tpu.memref_slice %arg5[%multiple_of3A_507] : memref<3200xi32, #tpu.memory_space<vmem>> -> memref<128xi32, #tpu.memory_space<vmem>>
    %dma_start3A_509 = arith.constant 0 : i32
    %dma_start3A_510 = arith.constant 0 : i32
    %dma_start3A_511 = tpu.memref_slice %arg6[%dma_start3A_509, %dma_start3A_510] : memref<84x128xf32, #tpu.memory_space<vmem_shared>> -> memref<84x128xf32, #tpu.memory_space<vmem_shared>>
    tpu.enqueue_indirect_dma source(%dma_start3A_511 : memref<84x128xf32, #tpu.memory_space<vmem_shared>>) target(%arg7 : memref<128x128xf32, #tpu.memory_space<vmem>>) offsets(%dma_start3A_508 : memref<128xi32, #tpu.memory_space<vmem>>) semaphore(%arg12 : memref<!tpu.dma_semaphore, #tpu.memory_space<semaphore_mem>>)
    %dma_wait3A_512 = tpu.memref_slice %arg5[%multiple_of3A_423] : memref<3200xi32, #tpu.memory_space<vmem>> -> memref<128xi32, #tpu.memory_space<vmem>>
    %dma_wait3A_513 = arith.constant 0 : i32
    %dma_wait3A_514 = arith.constant 0 : i32
    %dma_wait3A_515 = tpu.memref_slice %arg6[%dma_wait3A_513, %dma_wait3A_514] : memref<84x128xf32, #tpu.memory_space<vmem_shared>> -> memref<84x128xf32, #tpu.memory_space<vmem_shared>>
    tpu.wait_indirect_dma semaphore(%arg14 : memref<!tpu.dma_semaphore, #tpu.memory_space<semaphore_mem>>) src(%dma_wait3A_515 : memref<84x128xf32, #tpu.memory_space<vmem_shared>>) dst(%arg9 : memref<128x128xf32, #tpu.memory_space<vmem>>)
    %add3A_516 = arith.constant 2176 : i32
    %add3A_517 = arith.addi %multiple_of3A, %add3A_516 : i32
    %lt3A_518 = arith.constant 100000 : i32
    %lt3A_519 = arith.cmpi slt, %add3A_517, %lt3A_518 : i32
    %convert_element_type3A_520 = arith.extui %lt3A_519 : i1 to i32
    %cond3A_521 = arith.constant 0 : i32
    %cond3A_522 = arith.cmpi ne, %convert_element_type3A_520, %cond3A_521 : i32
    scf.if %cond3A_522 {
      %add3A_703 = arith.constant 2176 : i32
      %add3A_704 = arith.addi %multiple_of3A, %add3A_703 : i32
      %min3A_705 = arith.constant 99872 : i32
      %min3A_706 = arith.minsi %add3A_704, %min3A_705 : i32
      %dma_start3A_707 = arith.constant 0 : i32
      %dma_start3A_708 = tpu.memref_slice %arg4[%min3A_706, %dma_start3A_707] : memref<100000x128xf32, #tpu.memory_space<hbm>> -> memref<128x128xf32, #tpu.memory_space<hbm>>
      %dma_start3A_709 = arith.constant 0 : i32
      %dma_start3A_710 = tpu.memref_slice %arg4[%min3A_706, %dma_start3A_709] : memref<100000x128xf32, #tpu.memory_space<hbm>> -> memref<128x128xf32, #tpu.memory_space<hbm>>
      tpu.enqueue_dma source(%arg9 : memref<128x128xf32, #tpu.memory_space<vmem>>) target(%dma_start3A_710 : memref<128x128xf32, #tpu.memory_space<hbm>>) target_semaphore(%arg19 : memref<!tpu.dma_semaphore, #tpu.memory_space<semaphore_mem>>)
    } else {
    }
    %add3A_523 = arith.constant 2048 : i32
    %add3A_524 = arith.addi %multiple_of3A, %add3A_523 : i32
    %lt3A_525 = arith.constant 100000 : i32
    %lt3A_526 = arith.cmpi slt, %add3A_524, %lt3A_525 : i32
    %convert_element_type3A_527 = arith.extui %lt3A_526 : i1 to i32
    %cond3A_528 = arith.constant 0 : i32
    %cond3A_529 = arith.cmpi ne, %convert_element_type3A_527, %cond3A_528 : i32
    scf.if %cond3A_529 {
      %add3A_703 = arith.constant 2048 : i32
      %add3A_704 = arith.addi %multiple_of3A, %add3A_703 : i32
      %min3A_705 = arith.constant 99872 : i32
      %min3A_706 = arith.minsi %add3A_704, %min3A_705 : i32
      %dma_wait3A_707 = arith.constant 0 : i32
      %dma_wait3A_708 = tpu.memref_slice %arg4[%min3A_706, %dma_wait3A_707] : memref<100000x128xf32, #tpu.memory_space<hbm>> -> memref<128x128xf32, #tpu.memory_space<hbm>>
      %dma_wait3A_709 = arith.constant 0 : i32
      %dma_wait3A_710 = tpu.memref_slice %arg4[%min3A_706, %dma_wait3A_709] : memref<100000x128xf32, #tpu.memory_space<hbm>> -> memref<128x128xf32, #tpu.memory_space<hbm>>
      tpu.wait_dma2 semaphore(%arg18 : memref<!tpu.dma_semaphore, #tpu.memory_space<semaphore_mem>>) src(%arg8 : memref<128x128xf32, #tpu.memory_space<vmem>>) dst(%dma_wait3A_710 : memref<128x128xf32, #tpu.memory_space<hbm>>)
    } else {
    }
    %add3A_530 = arith.constant 2688 : i32
    %add3A_531 = arith.addi %multiple_of3A, %add3A_530 : i32
    %min3A_532 = arith.constant 99872 : i32
    %min3A_533 = arith.minsi %add3A_531, %min3A_532 : i32
    %sub3A_534 = arith.subi %min3A_533, %multiple_of3A : i32
    %multiple_of3A_535 = tpu.assume_multiple %sub3A_534, 8 : i32
    %dma_start3A_536 = tpu.memref_slice %arg5[%multiple_of3A_535] : memref<3200xi32, #tpu.memory_space<vmem>> -> memref<128xi32, #tpu.memory_space<vmem>>
    %dma_start3A_537 = arith.constant 0 : i32
    %dma_start3A_538 = arith.constant 0 : i32
    %dma_start3A_539 = tpu.memref_slice %arg6[%dma_start3A_537, %dma_start3A_538] : memref<84x128xf32, #tpu.memory_space<vmem_shared>> -> memref<84x128xf32, #tpu.memory_space<vmem_shared>>
    tpu.enqueue_indirect_dma source(%dma_start3A_539 : memref<84x128xf32, #tpu.memory_space<vmem_shared>>) target(%arg8 : memref<128x128xf32, #tpu.memory_space<vmem>>) offsets(%dma_start3A_536 : memref<128xi32, #tpu.memory_space<vmem>>) semaphore(%arg13 : memref<!tpu.dma_semaphore, #tpu.memory_space<semaphore_mem>>)
    %dma_wait3A_540 = tpu.memref_slice %arg5[%multiple_of3A_451] : memref<3200xi32, #tpu.memory_space<vmem>> -> memref<128xi32, #tpu.memory_space<vmem>>
    %dma_wait3A_541 = arith.constant 0 : i32
    %dma_wait3A_542 = arith.constant 0 : i32
    %dma_wait3A_543 = tpu.memref_slice %arg6[%dma_wait3A_541, %dma_wait3A_542] : memref<84x128xf32, #tpu.memory_space<vmem_shared>> -> memref<84x128xf32, #tpu.memory_space<vmem_shared>>
    tpu.wait_indirect_dma semaphore(%arg15 : memref<!tpu.dma_semaphore, #tpu.memory_space<semaphore_mem>>) src(%dma_wait3A_543 : memref<84x128xf32, #tpu.memory_space<vmem_shared>>) dst(%arg10 : memref<128x128xf32, #tpu.memory_space<vmem>>)
    %add3A_544 = arith.constant 2304 : i32
    %add3A_545 = arith.addi %multiple_of3A, %add3A_544 : i32
    %lt3A_546 = arith.constant 100000 : i32
    %lt3A_547 = arith.cmpi slt, %add3A_545, %lt3A_546 : i32
    %convert_element_type3A_548 = arith.extui %lt3A_547 : i1 to i32
    %cond3A_549 = arith.constant 0 : i32
    %cond3A_550 = arith.cmpi ne, %convert_element_type3A_548, %cond3A_549 : i32
    scf.if %cond3A_550 {
      %add3A_703 = arith.constant 2304 : i32
      %add3A_704 = arith.addi %multiple_of3A, %add3A_703 : i32
      %min3A_705 = arith.constant 99872 : i32
      %min3A_706 = arith.minsi %add3A_704, %min3A_705 : i32
      %dma_start3A_707 = arith.constant 0 : i32
      %dma_start3A_708 = tpu.memref_slice %arg4[%min3A_706, %dma_start3A_707] : memref<100000x128xf32, #tpu.memory_space<hbm>> -> memref<128x128xf32, #tpu.memory_space<hbm>>
      %dma_start3A_709 = arith.constant 0 : i32
      %dma_start3A_710 = tpu.memref_slice %arg4[%min3A_706, %dma_start3A_709] : memref<100000x128xf32, #tpu.memory_space<hbm>> -> memref<128x128xf32, #tpu.memory_space<hbm>>
      tpu.enqueue_dma source(%arg10 : memref<128x128xf32, #tpu.memory_space<vmem>>) target(%dma_start3A_710 : memref<128x128xf32, #tpu.memory_space<hbm>>) target_semaphore(%arg20 : memref<!tpu.dma_semaphore, #tpu.memory_space<semaphore_mem>>)
    } else {
    }
    %add3A_551 = arith.constant 2176 : i32
    %add3A_552 = arith.addi %multiple_of3A, %add3A_551 : i32
    %lt3A_553 = arith.constant 100000 : i32
    %lt3A_554 = arith.cmpi slt, %add3A_552, %lt3A_553 : i32
    %convert_element_type3A_555 = arith.extui %lt3A_554 : i1 to i32
    %cond3A_556 = arith.constant 0 : i32
    %cond3A_557 = arith.cmpi ne, %convert_element_type3A_555, %cond3A_556 : i32
    scf.if %cond3A_557 {
      %add3A_703 = arith.constant 2176 : i32
      %add3A_704 = arith.addi %multiple_of3A, %add3A_703 : i32
      %min3A_705 = arith.constant 99872 : i32
      %min3A_706 = arith.minsi %add3A_704, %min3A_705 : i32
      %dma_wait3A_707 = arith.constant 0 : i32
      %dma_wait3A_708 = tpu.memref_slice %arg4[%min3A_706, %dma_wait3A_707] : memref<100000x128xf32, #tpu.memory_space<hbm>> -> memref<128x128xf32, #tpu.memory_space<hbm>>
      %dma_wait3A_709 = arith.constant 0 : i32
      %dma_wait3A_710 = tpu.memref_slice %arg4[%min3A_706, %dma_wait3A_709] : memref<100000x128xf32, #tpu.memory_space<hbm>> -> memref<128x128xf32, #tpu.memory_space<hbm>>
      tpu.wait_dma2 semaphore(%arg19 : memref<!tpu.dma_semaphore, #tpu.memory_space<semaphore_mem>>) src(%arg9 : memref<128x128xf32, #tpu.memory_space<vmem>>) dst(%dma_wait3A_710 : memref<128x128xf32, #tpu.memory_space<hbm>>)
    } else {
    }
    %add3A_558 = arith.constant 2816 : i32
    %add3A_559 = arith.addi %multiple_of3A, %add3A_558 : i32
    %min3A_560 = arith.constant 99872 : i32
    %min3A_561 = arith.minsi %add3A_559, %min3A_560 : i32
    %sub3A_562 = arith.subi %min3A_561, %multiple_of3A : i32
    %multiple_of3A_563 = tpu.assume_multiple %sub3A_562, 8 : i32
    %dma_start3A_564 = tpu.memref_slice %arg5[%multiple_of3A_563] : memref<3200xi32, #tpu.memory_space<vmem>> -> memref<128xi32, #tpu.memory_space<vmem>>
    %dma_start3A_565 = arith.constant 0 : i32
    %dma_start3A_566 = arith.constant 0 : i32
    %dma_start3A_567 = tpu.memref_slice %arg6[%dma_start3A_565, %dma_start3A_566] : memref<84x128xf32, #tpu.memory_space<vmem_shared>> -> memref<84x128xf32, #tpu.memory_space<vmem_shared>>
    tpu.enqueue_indirect_dma source(%dma_start3A_567 : memref<84x128xf32, #tpu.memory_space<vmem_shared>>) target(%arg9 : memref<128x128xf32, #tpu.memory_space<vmem>>) offsets(%dma_start3A_564 : memref<128xi32, #tpu.memory_space<vmem>>) semaphore(%arg14 : memref<!tpu.dma_semaphore, #tpu.memory_space<semaphore_mem>>)
    %dma_wait3A_568 = tpu.memref_slice %arg5[%multiple_of3A_479] : memref<3200xi32, #tpu.memory_space<vmem>> -> memref<128xi32, #tpu.memory_space<vmem>>
    %dma_wait3A_569 = arith.constant 0 : i32
    %dma_wait3A_570 = arith.constant 0 : i32
    %dma_wait3A_571 = tpu.memref_slice %arg6[%dma_wait3A_569, %dma_wait3A_570] : memref<84x128xf32, #tpu.memory_space<vmem_shared>> -> memref<84x128xf32, #tpu.memory_space<vmem_shared>>
    tpu.wait_indirect_dma semaphore(%arg16 : memref<!tpu.dma_semaphore, #tpu.memory_space<semaphore_mem>>) src(%dma_wait3A_571 : memref<84x128xf32, #tpu.memory_space<vmem_shared>>) dst(%arg11 : memref<128x128xf32, #tpu.memory_space<vmem>>)
    %add3A_572 = arith.constant 2432 : i32
    %add3A_573 = arith.addi %multiple_of3A, %add3A_572 : i32
    %lt3A_574 = arith.constant 100000 : i32
    %lt3A_575 = arith.cmpi slt, %add3A_573, %lt3A_574 : i32
    %convert_element_type3A_576 = arith.extui %lt3A_575 : i1 to i32
    %cond3A_577 = arith.constant 0 : i32
    %cond3A_578 = arith.cmpi ne, %convert_element_type3A_576, %cond3A_577 : i32
    scf.if %cond3A_578 {
      %add3A_703 = arith.constant 2432 : i32
      %add3A_704 = arith.addi %multiple_of3A, %add3A_703 : i32
      %min3A_705 = arith.constant 99872 : i32
      %min3A_706 = arith.minsi %add3A_704, %min3A_705 : i32
      %dma_start3A_707 = arith.constant 0 : i32
      %dma_start3A_708 = tpu.memref_slice %arg4[%min3A_706, %dma_start3A_707] : memref<100000x128xf32, #tpu.memory_space<hbm>> -> memref<128x128xf32, #tpu.memory_space<hbm>>
      %dma_start3A_709 = arith.constant 0 : i32
      %dma_start3A_710 = tpu.memref_slice %arg4[%min3A_706, %dma_start3A_709] : memref<100000x128xf32, #tpu.memory_space<hbm>> -> memref<128x128xf32, #tpu.memory_space<hbm>>
      tpu.enqueue_dma source(%arg11 : memref<128x128xf32, #tpu.memory_space<vmem>>) target(%dma_start3A_710 : memref<128x128xf32, #tpu.memory_space<hbm>>) target_semaphore(%arg21 : memref<!tpu.dma_semaphore, #tpu.memory_space<semaphore_mem>>)
    } else {
    }
    %add3A_579 = arith.constant 2304 : i32
    %add3A_580 = arith.addi %multiple_of3A, %add3A_579 : i32
    %lt3A_581 = arith.constant 100000 : i32
    %lt3A_582 = arith.cmpi slt, %add3A_580, %lt3A_581 : i32
    %convert_element_type3A_583 = arith.extui %lt3A_582 : i1 to i32
    %cond3A_584 = arith.constant 0 : i32
    %cond3A_585 = arith.cmpi ne, %convert_element_type3A_583, %cond3A_584 : i32
    scf.if %cond3A_585 {
      %add3A_703 = arith.constant 2304 : i32
      %add3A_704 = arith.addi %multiple_of3A, %add3A_703 : i32
      %min3A_705 = arith.constant 99872 : i32
      %min3A_706 = arith.minsi %add3A_704, %min3A_705 : i32
      %dma_wait3A_707 = arith.constant 0 : i32
      %dma_wait3A_708 = tpu.memref_slice %arg4[%min3A_706, %dma_wait3A_707] : memref<100000x128xf32, #tpu.memory_space<hbm>> -> memref<128x128xf32, #tpu.memory_space<hbm>>
      %dma_wait3A_709 = arith.constant 0 : i32
      %dma_wait3A_710 = tpu.memref_slice %arg4[%min3A_706, %dma_wait3A_709] : memref<100000x128xf32, #tpu.memory_space<hbm>> -> memref<128x128xf32, #tpu.memory_space<hbm>>
      tpu.wait_dma2 semaphore(%arg20 : memref<!tpu.dma_semaphore, #tpu.memory_space<semaphore_mem>>) src(%arg10 : memref<128x128xf32, #tpu.memory_space<vmem>>) dst(%dma_wait3A_710 : memref<128x128xf32, #tpu.memory_space<hbm>>)
    } else {
    }
    %add3A_586 = arith.constant 2944 : i32
    %add3A_587 = arith.addi %multiple_of3A, %add3A_586 : i32
    %min3A_588 = arith.constant 99872 : i32
    %min3A_589 = arith.minsi %add3A_587, %min3A_588 : i32
    %sub3A_590 = arith.subi %min3A_589, %multiple_of3A : i32
    %multiple_of3A_591 = tpu.assume_multiple %sub3A_590, 8 : i32
    %dma_start3A_592 = tpu.memref_slice %arg5[%multiple_of3A_591] : memref<3200xi32, #tpu.memory_space<vmem>> -> memref<128xi32, #tpu.memory_space<vmem>>
    %dma_start3A_593 = arith.constant 0 : i32
    %dma_start3A_594 = arith.constant 0 : i32
    %dma_start3A_595 = tpu.memref_slice %arg6[%dma_start3A_593, %dma_start3A_594] : memref<84x128xf32, #tpu.memory_space<vmem_shared>> -> memref<84x128xf32, #tpu.memory_space<vmem_shared>>
    tpu.enqueue_indirect_dma source(%dma_start3A_595 : memref<84x128xf32, #tpu.memory_space<vmem_shared>>) target(%arg10 : memref<128x128xf32, #tpu.memory_space<vmem>>) offsets(%dma_start3A_592 : memref<128xi32, #tpu.memory_space<vmem>>) semaphore(%arg15 : memref<!tpu.dma_semaphore, #tpu.memory_space<semaphore_mem>>)
    %dma_wait3A_596 = tpu.memref_slice %arg5[%multiple_of3A_507] : memref<3200xi32, #tpu.memory_space<vmem>> -> memref<128xi32, #tpu.memory_space<vmem>>
    %dma_wait3A_597 = arith.constant 0 : i32
    %dma_wait3A_598 = arith.constant 0 : i32
    %dma_wait3A_599 = tpu.memref_slice %arg6[%dma_wait3A_597, %dma_wait3A_598] : memref<84x128xf32, #tpu.memory_space<vmem_shared>> -> memref<84x128xf32, #tpu.memory_space<vmem_shared>>
    tpu.wait_indirect_dma semaphore(%arg12 : memref<!tpu.dma_semaphore, #tpu.memory_space<semaphore_mem>>) src(%dma_wait3A_599 : memref<84x128xf32, #tpu.memory_space<vmem_shared>>) dst(%arg7 : memref<128x128xf32, #tpu.memory_space<vmem>>)
    %add3A_600 = arith.constant 2560 : i32
    %add3A_601 = arith.addi %multiple_of3A, %add3A_600 : i32
    %lt3A_602 = arith.constant 100000 : i32
    %lt3A_603 = arith.cmpi slt, %add3A_601, %lt3A_602 : i32
    %convert_element_type3A_604 = arith.extui %lt3A_603 : i1 to i32
    %cond3A_605 = arith.constant 0 : i32
    %cond3A_606 = arith.cmpi ne, %convert_element_type3A_604, %cond3A_605 : i32
    scf.if %cond3A_606 {
      %add3A_703 = arith.constant 2560 : i32
      %add3A_704 = arith.addi %multiple_of3A, %add3A_703 : i32
      %min3A_705 = arith.constant 99872 : i32
      %min3A_706 = arith.minsi %add3A_704, %min3A_705 : i32
      %dma_start3A_707 = arith.constant 0 : i32
      %dma_start3A_708 = tpu.memref_slice %arg4[%min3A_706, %dma_start3A_707] : memref<100000x128xf32, #tpu.memory_space<hbm>> -> memref<128x128xf32, #tpu.memory_space<hbm>>
      %dma_start3A_709 = arith.constant 0 : i32
      %dma_start3A_710 = tpu.memref_slice %arg4[%min3A_706, %dma_start3A_709] : memref<100000x128xf32, #tpu.memory_space<hbm>> -> memref<128x128xf32, #tpu.memory_space<hbm>>
      tpu.enqueue_dma source(%arg7 : memref<128x128xf32, #tpu.memory_space<vmem>>) target(%dma_start3A_710 : memref<128x128xf32, #tpu.memory_space<hbm>>) target_semaphore(%arg17 : memref<!tpu.dma_semaphore, #tpu.memory_space<semaphore_mem>>)
    } else {
    }
    %add3A_607 = arith.constant 2432 : i32
    %add3A_608 = arith.addi %multiple_of3A, %add3A_607 : i32
    %lt3A_609 = arith.constant 100000 : i32
    %lt3A_610 = arith.cmpi slt, %add3A_608, %lt3A_609 : i32
    %convert_element_type3A_611 = arith.extui %lt3A_610 : i1 to i32
    %cond3A_612 = arith.constant 0 : i32
    %cond3A_613 = arith.cmpi ne, %convert_element_type3A_611, %cond3A_612 : i32
    scf.if %cond3A_613 {
      %add3A_703 = arith.constant 2432 : i32
      %add3A_704 = arith.addi %multiple_of3A, %add3A_703 : i32
      %min3A_705 = arith.constant 99872 : i32
      %min3A_706 = arith.minsi %add3A_704, %min3A_705 : i32
      %dma_wait3A_707 = arith.constant 0 : i32
      %dma_wait3A_708 = tpu.memref_slice %arg4[%min3A_706, %dma_wait3A_707] : memref<100000x128xf32, #tpu.memory_space<hbm>> -> memref<128x128xf32, #tpu.memory_space<hbm>>
      %dma_wait3A_709 = arith.constant 0 : i32
      %dma_wait3A_710 = tpu.memref_slice %arg4[%min3A_706, %dma_wait3A_709] : memref<100000x128xf32, #tpu.memory_space<hbm>> -> memref<128x128xf32, #tpu.memory_space<hbm>>
      tpu.wait_dma2 semaphore(%arg21 : memref<!tpu.dma_semaphore, #tpu.memory_space<semaphore_mem>>) src(%arg11 : memref<128x128xf32, #tpu.memory_space<vmem>>) dst(%dma_wait3A_710 : memref<128x128xf32, #tpu.memory_space<hbm>>)
    } else {
    }
    %add3A_614 = arith.constant 3072 : i32
    %add3A_615 = arith.addi %multiple_of3A, %add3A_614 : i32
    %min3A_616 = arith.constant 99872 : i32
    %min3A_617 = arith.minsi %add3A_615, %min3A_616 : i32
    %sub3A_618 = arith.subi %min3A_617, %multiple_of3A : i32
    %multiple_of3A_619 = tpu.assume_multiple %sub3A_618, 8 : i32
    %dma_start3A_620 = tpu.memref_slice %arg5[%multiple_of3A_619] : memref<3200xi32, #tpu.memory_space<vmem>> -> memref<128xi32, #tpu.memory_space<vmem>>
    %dma_start3A_621 = arith.constant 0 : i32
    %dma_start3A_622 = arith.constant 0 : i32
    %dma_start3A_623 = tpu.memref_slice %arg6[%dma_start3A_621, %dma_start3A_622] : memref<84x128xf32, #tpu.memory_space<vmem_shared>> -> memref<84x128xf32, #tpu.memory_space<vmem_shared>>
    tpu.enqueue_indirect_dma source(%dma_start3A_623 : memref<84x128xf32, #tpu.memory_space<vmem_shared>>) target(%arg11 : memref<128x128xf32, #tpu.memory_space<vmem>>) offsets(%dma_start3A_620 : memref<128xi32, #tpu.memory_space<vmem>>) semaphore(%arg16 : memref<!tpu.dma_semaphore, #tpu.memory_space<semaphore_mem>>)
    %dma_wait3A_624 = tpu.memref_slice %arg5[%multiple_of3A_535] : memref<3200xi32, #tpu.memory_space<vmem>> -> memref<128xi32, #tpu.memory_space<vmem>>
    %dma_wait3A_625 = arith.constant 0 : i32
    %dma_wait3A_626 = arith.constant 0 : i32
    %dma_wait3A_627 = tpu.memref_slice %arg6[%dma_wait3A_625, %dma_wait3A_626] : memref<84x128xf32, #tpu.memory_space<vmem_shared>> -> memref<84x128xf32, #tpu.memory_space<vmem_shared>>
    tpu.wait_indirect_dma semaphore(%arg13 : memref<!tpu.dma_semaphore, #tpu.memory_space<semaphore_mem>>) src(%dma_wait3A_627 : memref<84x128xf32, #tpu.memory_space<vmem_shared>>) dst(%arg8 : memref<128x128xf32, #tpu.memory_space<vmem>>)
    %add3A_628 = arith.constant 2688 : i32
    %add3A_629 = arith.addi %multiple_of3A, %add3A_628 : i32
    %lt3A_630 = arith.constant 100000 : i32
    %lt3A_631 = arith.cmpi slt, %add3A_629, %lt3A_630 : i32
    %convert_element_type3A_632 = arith.extui %lt3A_631 : i1 to i32
    %cond3A_633 = arith.constant 0 : i32
    %cond3A_634 = arith.cmpi ne, %convert_element_type3A_632, %cond3A_633 : i32
    scf.if %cond3A_634 {
      %add3A_703 = arith.constant 2688 : i32
      %add3A_704 = arith.addi %multiple_of3A, %add3A_703 : i32
      %min3A_705 = arith.constant 99872 : i32
      %min3A_706 = arith.minsi %add3A_704, %min3A_705 : i32
      %dma_start3A_707 = arith.constant 0 : i32
      %dma_start3A_708 = tpu.memref_slice %arg4[%min3A_706, %dma_start3A_707] : memref<100000x128xf32, #tpu.memory_space<hbm>> -> memref<128x128xf32, #tpu.memory_space<hbm>>
      %dma_start3A_709 = arith.constant 0 : i32
      %dma_start3A_710 = tpu.memref_slice %arg4[%min3A_706, %dma_start3A_709] : memref<100000x128xf32, #tpu.memory_space<hbm>> -> memref<128x128xf32, #tpu.memory_space<hbm>>
      tpu.enqueue_dma source(%arg8 : memref<128x128xf32, #tpu.memory_space<vmem>>) target(%dma_start3A_710 : memref<128x128xf32, #tpu.memory_space<hbm>>) target_semaphore(%arg18 : memref<!tpu.dma_semaphore, #tpu.memory_space<semaphore_mem>>)
    } else {
    }
    %dma_wait3A_635 = tpu.memref_slice %arg5[%multiple_of3A_563] : memref<3200xi32, #tpu.memory_space<vmem>> -> memref<128xi32, #tpu.memory_space<vmem>>
    %dma_wait3A_636 = arith.constant 0 : i32
    %dma_wait3A_637 = arith.constant 0 : i32
    %dma_wait3A_638 = tpu.memref_slice %arg6[%dma_wait3A_636, %dma_wait3A_637] : memref<84x128xf32, #tpu.memory_space<vmem_shared>> -> memref<84x128xf32, #tpu.memory_space<vmem_shared>>
    tpu.wait_indirect_dma semaphore(%arg14 : memref<!tpu.dma_semaphore, #tpu.memory_space<semaphore_mem>>) src(%dma_wait3A_638 : memref<84x128xf32, #tpu.memory_space<vmem_shared>>) dst(%arg9 : memref<128x128xf32, #tpu.memory_space<vmem>>)
    %add3A_639 = arith.constant 2816 : i32
    %add3A_640 = arith.addi %multiple_of3A, %add3A_639 : i32
    %lt3A_641 = arith.constant 100000 : i32
    %lt3A_642 = arith.cmpi slt, %add3A_640, %lt3A_641 : i32
    %convert_element_type3A_643 = arith.extui %lt3A_642 : i1 to i32
    %cond3A_644 = arith.constant 0 : i32
    %cond3A_645 = arith.cmpi ne, %convert_element_type3A_643, %cond3A_644 : i32
    scf.if %cond3A_645 {
      %add3A_703 = arith.constant 2816 : i32
      %add3A_704 = arith.addi %multiple_of3A, %add3A_703 : i32
      %min3A_705 = arith.constant 99872 : i32
      %min3A_706 = arith.minsi %add3A_704, %min3A_705 : i32
      %dma_start3A_707 = arith.constant 0 : i32
      %dma_start3A_708 = tpu.memref_slice %arg4[%min3A_706, %dma_start3A_707] : memref<100000x128xf32, #tpu.memory_space<hbm>> -> memref<128x128xf32, #tpu.memory_space<hbm>>
      %dma_start3A_709 = arith.constant 0 : i32
      %dma_start3A_710 = tpu.memref_slice %arg4[%min3A_706, %dma_start3A_709] : memref<100000x128xf32, #tpu.memory_space<hbm>> -> memref<128x128xf32, #tpu.memory_space<hbm>>
      tpu.enqueue_dma source(%arg9 : memref<128x128xf32, #tpu.memory_space<vmem>>) target(%dma_start3A_710 : memref<128x128xf32, #tpu.memory_space<hbm>>) target_semaphore(%arg19 : memref<!tpu.dma_semaphore, #tpu.memory_space<semaphore_mem>>)
    } else {
    }
    %dma_wait3A_646 = tpu.memref_slice %arg5[%multiple_of3A_591] : memref<3200xi32, #tpu.memory_space<vmem>> -> memref<128xi32, #tpu.memory_space<vmem>>
    %dma_wait3A_647 = arith.constant 0 : i32
    %dma_wait3A_648 = arith.constant 0 : i32
    %dma_wait3A_649 = tpu.memref_slice %arg6[%dma_wait3A_647, %dma_wait3A_648] : memref<84x128xf32, #tpu.memory_space<vmem_shared>> -> memref<84x128xf32, #tpu.memory_space<vmem_shared>>
    tpu.wait_indirect_dma semaphore(%arg15 : memref<!tpu.dma_semaphore, #tpu.memory_space<semaphore_mem>>) src(%dma_wait3A_649 : memref<84x128xf32, #tpu.memory_space<vmem_shared>>) dst(%arg10 : memref<128x128xf32, #tpu.memory_space<vmem>>)
    %add3A_650 = arith.constant 2944 : i32
    %add3A_651 = arith.addi %multiple_of3A, %add3A_650 : i32
    %lt3A_652 = arith.constant 100000 : i32
    %lt3A_653 = arith.cmpi slt, %add3A_651, %lt3A_652 : i32
    %convert_element_type3A_654 = arith.extui %lt3A_653 : i1 to i32
    %cond3A_655 = arith.constant 0 : i32
    %cond3A_656 = arith.cmpi ne, %convert_element_type3A_654, %cond3A_655 : i32
    scf.if %cond3A_656 {
      %add3A_703 = arith.constant 2944 : i32
      %add3A_704 = arith.addi %multiple_of3A, %add3A_703 : i32
      %min3A_705 = arith.constant 99872 : i32
      %min3A_706 = arith.minsi %add3A_704, %min3A_705 : i32
      %dma_start3A_707 = arith.constant 0 : i32
      %dma_start3A_708 = tpu.memref_slice %arg4[%min3A_706, %dma_start3A_707] : memref<100000x128xf32, #tpu.memory_space<hbm>> -> memref<128x128xf32, #tpu.memory_space<hbm>>
      %dma_start3A_709 = arith.constant 0 : i32
      %dma_start3A_710 = tpu.memref_slice %arg4[%min3A_706, %dma_start3A_709] : memref<100000x128xf32, #tpu.memory_space<hbm>> -> memref<128x128xf32, #tpu.memory_space<hbm>>
      tpu.enqueue_dma source(%arg10 : memref<128x128xf32, #tpu.memory_space<vmem>>) target(%dma_start3A_710 : memref<128x128xf32, #tpu.memory_space<hbm>>) target_semaphore(%arg20 : memref<!tpu.dma_semaphore, #tpu.memory_space<semaphore_mem>>)
    } else {
    }
    %dma_wait3A_657 = tpu.memref_slice %arg5[%multiple_of3A_619] : memref<3200xi32, #tpu.memory_space<vmem>> -> memref<128xi32, #tpu.memory_space<vmem>>
    %dma_wait3A_658 = arith.constant 0 : i32
    %dma_wait3A_659 = arith.constant 0 : i32
    %dma_wait3A_660 = tpu.memref_slice %arg6[%dma_wait3A_658, %dma_wait3A_659] : memref<84x128xf32, #tpu.memory_space<vmem_shared>> -> memref<84x128xf32, #tpu.memory_space<vmem_shared>>
    tpu.wait_indirect_dma semaphore(%arg16 : memref<!tpu.dma_semaphore, #tpu.memory_space<semaphore_mem>>) src(%dma_wait3A_660 : memref<84x128xf32, #tpu.memory_space<vmem_shared>>) dst(%arg11 : memref<128x128xf32, #tpu.memory_space<vmem>>)
    %add3A_661 = arith.constant 3072 : i32
    %add3A_662 = arith.addi %multiple_of3A, %add3A_661 : i32
    %lt3A_663 = arith.constant 100000 : i32
    %lt3A_664 = arith.cmpi slt, %add3A_662, %lt3A_663 : i32
    %convert_element_type3A_665 = arith.extui %lt3A_664 : i1 to i32
    %cond3A_666 = arith.constant 0 : i32
    %cond3A_667 = arith.cmpi ne, %convert_element_type3A_665, %cond3A_666 : i32
    scf.if %cond3A_667 {
      %add3A_703 = arith.constant 3072 : i32
      %add3A_704 = arith.addi %multiple_of3A, %add3A_703 : i32
      %min3A_705 = arith.constant 99872 : i32
      %min3A_706 = arith.minsi %add3A_704, %min3A_705 : i32
      %dma_start3A_707 = arith.constant 0 : i32
      %dma_start3A_708 = tpu.memref_slice %arg4[%min3A_706, %dma_start3A_707] : memref<100000x128xf32, #tpu.memory_space<hbm>> -> memref<128x128xf32, #tpu.memory_space<hbm>>
      %dma_start3A_709 = arith.constant 0 : i32
      %dma_start3A_710 = tpu.memref_slice %arg4[%min3A_706, %dma_start3A_709] : memref<100000x128xf32, #tpu.memory_space<hbm>> -> memref<128x128xf32, #tpu.memory_space<hbm>>
      tpu.enqueue_dma source(%arg11 : memref<128x128xf32, #tpu.memory_space<vmem>>) target(%dma_start3A_710 : memref<128x128xf32, #tpu.memory_space<hbm>>) target_semaphore(%arg21 : memref<!tpu.dma_semaphore, #tpu.memory_space<semaphore_mem>>)
    } else {
    }
    %add3A_668 = arith.constant 2560 : i32
    %add3A_669 = arith.addi %multiple_of3A, %add3A_668 : i32
    %lt3A_670 = arith.constant 100000 : i32
    %lt3A_671 = arith.cmpi slt, %add3A_669, %lt3A_670 : i32
    %convert_element_type3A_672 = arith.extui %lt3A_671 : i1 to i32
    %cond3A_673 = arith.constant 0 : i32
    %cond3A_674 = arith.cmpi ne, %convert_element_type3A_672, %cond3A_673 : i32
    scf.if %cond3A_674 {
      %add3A_703 = arith.constant 2560 : i32
      %add3A_704 = arith.addi %multiple_of3A, %add3A_703 : i32
      %min3A_705 = arith.constant 99872 : i32
      %min3A_706 = arith.minsi %add3A_704, %min3A_705 : i32
      %dma_wait3A_707 = arith.constant 0 : i32
      %dma_wait3A_708 = tpu.memref_slice %arg4[%min3A_706, %dma_wait3A_707] : memref<100000x128xf32, #tpu.memory_space<hbm>> -> memref<128x128xf32, #tpu.memory_space<hbm>>
      %dma_wait3A_709 = arith.constant 0 : i32
      %dma_wait3A_710 = tpu.memref_slice %arg4[%min3A_706, %dma_wait3A_709] : memref<100000x128xf32, #tpu.memory_space<hbm>> -> memref<128x128xf32, #tpu.memory_space<hbm>>
      tpu.wait_dma2 semaphore(%arg17 : memref<!tpu.dma_semaphore, #tpu.memory_space<semaphore_mem>>) src(%arg7 : memref<128x128xf32, #tpu.memory_space<vmem>>) dst(%dma_wait3A_710 : memref<128x128xf32, #tpu.memory_space<hbm>>)
    } else {
    }
    %add3A_675 = arith.constant 2688 : i32
    %add3A_676 = arith.addi %multiple_of3A, %add3A_675 : i32
    %lt3A_677 = arith.constant 100000 : i32
    %lt3A_678 = arith.cmpi slt, %add3A_676, %lt3A_677 : i32
    %convert_element_type3A_679 = arith.extui %lt3A_678 : i1 to i32
    %cond3A_680 = arith.constant 0 : i32
    %cond3A_681 = arith.cmpi ne, %convert_element_type3A_679, %cond3A_680 : i32
    scf.if %cond3A_681 {
      %add3A_703 = arith.constant 2688 : i32
      %add3A_704 = arith.addi %multiple_of3A, %add3A_703 : i32
      %min3A_705 = arith.constant 99872 : i32
      %min3A_706 = arith.minsi %add3A_704, %min3A_705 : i32
      %dma_wait3A_707 = arith.constant 0 : i32
      %dma_wait3A_708 = tpu.memref_slice %arg4[%min3A_706, %dma_wait3A_707] : memref<100000x128xf32, #tpu.memory_space<hbm>> -> memref<128x128xf32, #tpu.memory_space<hbm>>
      %dma_wait3A_709 = arith.constant 0 : i32
      %dma_wait3A_710 = tpu.memref_slice %arg4[%min3A_706, %dma_wait3A_709] : memref<100000x128xf32, #tpu.memory_space<hbm>> -> memref<128x128xf32, #tpu.memory_space<hbm>>
      tpu.wait_dma2 semaphore(%arg18 : memref<!tpu.dma_semaphore, #tpu.memory_space<semaphore_mem>>) src(%arg8 : memref<128x128xf32, #tpu.memory_space<vmem>>) dst(%dma_wait3A_710 : memref<128x128xf32, #tpu.memory_space<hbm>>)
    } else {
    }
    %add3A_682 = arith.constant 2816 : i32
    %add3A_683 = arith.addi %multiple_of3A, %add3A_682 : i32
    %lt3A_684 = arith.constant 100000 : i32
    %lt3A_685 = arith.cmpi slt, %add3A_683, %lt3A_684 : i32
    %convert_element_type3A_686 = arith.extui %lt3A_685 : i1 to i32
    %cond3A_687 = arith.constant 0 : i32
    %cond3A_688 = arith.cmpi ne, %convert_element_type3A_686, %cond3A_687 : i32
    scf.if %cond3A_688 {
      %add3A_703 = arith.constant 2816 : i32
      %add3A_704 = arith.addi %multiple_of3A, %add3A_703 : i32
      %min3A_705 = arith.constant 99872 : i32
      %min3A_706 = arith.minsi %add3A_704, %min3A_705 : i32
      %dma_wait3A_707 = arith.constant 0 : i32
      %dma_wait3A_708 = tpu.memref_slice %arg4[%min3A_706, %dma_wait3A_707] : memref<100000x128xf32, #tpu.memory_space<hbm>> -> memref<128x128xf32, #tpu.memory_space<hbm>>
      %dma_wait3A_709 = arith.constant 0 : i32
      %dma_wait3A_710 = tpu.memref_slice %arg4[%min3A_706, %dma_wait3A_709] : memref<100000x128xf32, #tpu.memory_space<hbm>> -> memref<128x128xf32, #tpu.memory_space<hbm>>
      tpu.wait_dma2 semaphore(%arg19 : memref<!tpu.dma_semaphore, #tpu.memory_space<semaphore_mem>>) src(%arg9 : memref<128x128xf32, #tpu.memory_space<vmem>>) dst(%dma_wait3A_710 : memref<128x128xf32, #tpu.memory_space<hbm>>)
    } else {
    }
    %add3A_689 = arith.constant 2944 : i32
    %add3A_690 = arith.addi %multiple_of3A, %add3A_689 : i32
    %lt3A_691 = arith.constant 100000 : i32
    %lt3A_692 = arith.cmpi slt, %add3A_690, %lt3A_691 : i32
    %convert_element_type3A_693 = arith.extui %lt3A_692 : i1 to i32
    %cond3A_694 = arith.constant 0 : i32
    %cond3A_695 = arith.cmpi ne, %convert_element_type3A_693, %cond3A_694 : i32
    scf.if %cond3A_695 {
      %add3A_703 = arith.constant 2944 : i32
      %add3A_704 = arith.addi %multiple_of3A, %add3A_703 : i32
      %min3A_705 = arith.constant 99872 : i32
      %min3A_706 = arith.minsi %add3A_704, %min3A_705 : i32
      %dma_wait3A_707 = arith.constant 0 : i32
      %dma_wait3A_708 = tpu.memref_slice %arg4[%min3A_706, %dma_wait3A_707] : memref<100000x128xf32, #tpu.memory_space<hbm>> -> memref<128x128xf32, #tpu.memory_space<hbm>>
      %dma_wait3A_709 = arith.constant 0 : i32
      %dma_wait3A_710 = tpu.memref_slice %arg4[%min3A_706, %dma_wait3A_709] : memref<100000x128xf32, #tpu.memory_space<hbm>> -> memref<128x128xf32, #tpu.memory_space<hbm>>
      tpu.wait_dma2 semaphore(%arg20 : memref<!tpu.dma_semaphore, #tpu.memory_space<semaphore_mem>>) src(%arg10 : memref<128x128xf32, #tpu.memory_space<vmem>>) dst(%dma_wait3A_710 : memref<128x128xf32, #tpu.memory_space<hbm>>)
    } else {
    }
    %add3A_696 = arith.constant 3072 : i32
    %add3A_697 = arith.addi %multiple_of3A, %add3A_696 : i32
    %lt3A_698 = arith.constant 100000 : i32
    %lt3A_699 = arith.cmpi slt, %add3A_697, %lt3A_698 : i32
    %convert_element_type3A_700 = arith.extui %lt3A_699 : i1 to i32
    %cond3A_701 = arith.constant 0 : i32
    %cond3A_702 = arith.cmpi ne, %convert_element_type3A_700, %cond3A_701 : i32
    scf.if %cond3A_702 {
      %add3A_703 = arith.constant 3072 : i32
      %add3A_704 = arith.addi %multiple_of3A, %add3A_703 : i32
      %min3A_705 = arith.constant 99872 : i32
      %min3A_706 = arith.minsi %add3A_704, %min3A_705 : i32
      %dma_wait3A_707 = arith.constant 0 : i32
      %dma_wait3A_708 = tpu.memref_slice %arg4[%min3A_706, %dma_wait3A_707] : memref<100000x128xf32, #tpu.memory_space<hbm>> -> memref<128x128xf32, #tpu.memory_space<hbm>>
      %dma_wait3A_709 = arith.constant 0 : i32
      %dma_wait3A_710 = tpu.memref_slice %arg4[%min3A_706, %dma_wait3A_709] : memref<100000x128xf32, #tpu.memory_space<hbm>> -> memref<128x128xf32, #tpu.memory_space<hbm>>
      tpu.wait_dma2 semaphore(%arg21 : memref<!tpu.dma_semaphore, #tpu.memory_space<semaphore_mem>>) src(%arg11 : memref<128x128xf32, #tpu.memory_space<vmem>>) dst(%dma_wait3A_710 : memref<128x128xf32, #tpu.memory_space<hbm>>)
    } else {
    }
    return
  }
}

</mosaic_0001>

<sc_bundles>
// kernel: kernel.3.cloned.1.call-start
scs
__scs_entry_jumppad:
0x0: {  	(pc) =	sbr.rel $0x88, $3  }
0x1: {  	(tag) =	ssettag $0x0;
	lr =	simm.s32 $0x1  }
0x2: {  	[smem:$0x3F9F] =	sst lr;
	_ =	strace $0xD0000000  }
0x3: {  	_ = 	snop  }
0x4: {  	_ = 	snop  }
0x5: {  	_ = 	snop  }
0x6: {  	_ = 	snop  }
0x7: {  	_ = 	snop  }
__scs_overlays_trampoline_lowered:
0x8: {  	[smem:$0x3FAE] =	sst s0  }
0x9: {  	[smem:$0x3FAF] =	sst s1  }
0xa: {  	[smem:$0x3FB0] =	sst s2  }
0xb: {  	[smem:$0x3FB1] =	sst s3  }
0xc: {  	[smem:$0x3FB2] =	sst s4  }
0xd: {  	[smem:$0x3FB3] =	sst s5  }
0xe: {  	[smem:$0x3FB4] =	sst s6  }
0xf: {  	[smem:$0x3FB5] =	sst s7  }
0x10: {  	[smem:$0x3FB6] =	sst s8  }
0x11: {  	[smem:$0x3FB7] =	sst s9;
	s0 =	simm.s32 @!p0 $0x0  }
0x12: {  	s1 =	sld [smem:$0x3F9D];
	s0 =	simm.s32 @p0 $0x1  }
0x13: {  	[smem:$0x3FB8] =	sst s0;
	s0 =	simm.s32 @!p1 $0x0  }
0x14: {  	s2 =	sld [smem:$0x3F9C];
	s0 =	simm.s32 @p1 $0x1  }
0x15: {  	[smem:$0x3FB9] =	sst s0;
	s0 =	simm.s32 @!p2 $0x0  }
0x16: {  	s3 =	sld [smem:$0x3FDB];
	s0 =	simm.s32 @p2 $0x1  }
0x17: {  	s4 =	simm.s32 $0x1BF5;
	[smem:$0x3FBB] =	sst s0  }
0x18: {  	s0 =	sld [smem:$0x3F9E];
	_ =	swait.ge [sflag:s4], $0x0  }
0x19: {  	s7 =	sld [smem:$0x3F9F]  }
0x1a: {  	s8 =	sadd.s32 $0xFFFFE003, lr  }
0x1b: {  	s9 =	sadd.s32 $0xFFFFFEF7, lr;
	s5 =	simm.s32 $0xFFFFFFFF;
	p2 =	slt.u32 s8, $0xFFFFF086  }
0x1c: {  	p1 =	slt.u32 s9, $0xF7A;
	s5 =	simm.s32 @!p2 $0x0  }
0x1d: {  	s5 =	simm.s32 @p1 $0x1;
	p0 =	seq.s32 s7, s2  }
0x1e: {  	s7 =	smul.u32 @!p0 $0xF7A, s2;
	p2 =	seq.s32 @!p0 s5, $0x0  }
0x1f: {  	s9 =	smul.u32 $0xF7A, s1;
	s8 =	simm.s32 @!p0 $0x1BF5;
	p2 =	por !p2, p0  }
0x20: {  	[sflag:s8] =	ssyncset.s32 @!p0 $0xFFFFF086;
	s6 =	sadd.s32 @!p0 s3, s7;
	s7 =	simm.s32 @!p0 $0x108  }
0x21: {  	s3 =	sadd.s32 s3, s9;
	s6 =	sadd.s32 @!p0 $0x88, s6;
	s7 =	simm.s32 @p2 $0x1082  }
0x22: {  	[simem:s7], [sflag:s8] =	dma.local @!p0 [hbm:s6], $0xF7A  }
0x23: {  	s9 =	sor.u32 $0xD0000000, s2;
	s6 =	simm.s32 $0x108;
	_ =	swait.ge @!p0 [sflag:s8], $0x0  }
0x24: {  	s3 =	sadd.s32 $0x88, s3;
	s6 =	simm.s32 @!p1 $0x1082;
	[sflag:s4] =	ssyncset.s32 $0xFFFFF086  }
0x25: {  	[simem:s6], [sflag:s4] =	dma.local [hbm:s3], $0xF7A  }
0x26: {  	[smem:$0x3F9F] =	sst s1;
	(tag) =	ssettag s2;
	_ =	strace s9  }
0x27: {  	s1 =	sld [smem:$0x3FAF]  }
0x28: {  	s2 =	sld [smem:$0x3FB0]  }
0x29: {  	s4 =	sld [smem:$0x3FB2]  }
0x2a: {  	p0 =	seq.s32 s5, $0x0;
	s5 =	sld [smem:$0x3FB3]  }
0x2b: {  	s6 =	sld [smem:$0x3FB4]  }
0x2c: {  	s7 =	sld [smem:$0x3FB5]  }
0x2d: {  	s3 =	simm.s32 $0x108;
	s8 =	sld [smem:$0x3FB6]  }
0x2e: {  	s3 =	simm.s32 @!p0 $0x1082;
	s9 =	sld [smem:$0x3FB7]  }
0x2f: {  	lr =	sadd.s32 s0, s3;
	s0 =	sld [smem:$0x3FAE]  }
0x30: {  	s3 =	sld [smem:$0x3FB1]  }
0x31: {  	[smem:$0x3FBA] =	sst s10  }
0x32: {  	s10 =	sld [smem:$0x3FB8];
	_ =	sdelay $0x3  }
0x33: {  	p0 =	seq.s32 s10, $0x1;
	s10 =	sld [smem:$0x3FBA];
	_ =	sdelay $0x3  }
0x34: {  	[smem:$0x3FBA] =	sst s10  }
0x35: {  	s10 =	sld [smem:$0x3FB9];
	_ =	sdelay $0x3  }
0x36: {  	p1 =	seq.s32 s10, $0x1;
	s10 =	sld [smem:$0x3FBA];
	_ =	sdelay $0x3  }
0x37: {  	[smem:$0x3FBA] =	sst s10  }
0x38: {  	s10 =	sld [smem:$0x3FBB]  }
0x39: {  	_ = 	snop;
	(pc) =	sbr.ind lr, $3  }
0x3a: {  	_ = 	snop  }
0x3b: {  	_ = 	snop  }
0x3c: {  	p2 =	seq.s32 s10, $0x1;
	s10 =	sld [smem:$0x3FBA]  }
0x3d: {  	_ =	shalt  }
0x3e: {  	_ =	shalt  }
0x3f: {  	_ =	shalt  }
0x40: {  	_ =	shalt  }
0x41: {  	_ =	shalt  }
0x42: {  	_ =	shalt  }
0x43: {  	_ =	shalt  }
0x44: {  	_ =	shalt  }
0x45: {  	_ =	shalt  }
0x46: {  	_ =	shalt  }
0x47: {  	_ =	shalt  }
0x48: {  	_ =	shalt  }
0x49: {  	_ =	shalt  }
0x4a: {  	_ =	shalt  }
0x4b: {  	_ =	shalt  }
0x4c: {  	_ =	shalt  }
0x4d: {  	_ =	shalt  }
0x4e: {  	_ =	shalt  }
0x4f: {  	_ =	shalt  }
0x50: {  	_ =	shalt  }
0x51: {  	_ =	shalt  }
0x52: {  	_ =	shalt  }
0x53: {  	_ =	shalt  }
0x54: {  	_ =	shalt  }
0x55: {  	_ =	shalt  }
0x56: {  	_ =	shalt  }
0x57: {  	_ =	shalt  }
0x58: {  	_ =	shalt  }
0x59: {  	_ =	shalt  }
0x5a: {  	_ =	shalt  }
0x5b: {  	_ =	shalt  }
0x5c: {  	_ =	shalt  }
0x5d: {  	_ =	shalt  }
0x5e: {  	_ =	shalt  }
0x5f: {  	_ =	shalt  }
0x60: {  	_ =	shalt  }
0x61: {  	_ =	shalt  }
0x62: {  	_ =	shalt  }
0x63: {  	_ =	shalt  }
0x64: {  	_ =	shalt  }
0x65: {  	_ =	shalt  }
0x66: {  	_ =	shalt  }
0x67: {  	_ =	shalt  }
0x68: {  	_ =	shalt  }
0x69: {  	_ =	shalt  }
0x6a: {  	_ =	shalt  }
0x6b: {  	_ =	shalt  }
0x6c: {  	_ =	shalt  }
0x6d: {  	_ =	shalt  }
0x6e: {  	_ =	shalt  }
0x6f: {  	_ =	shalt  }
0x70: {  	_ =	shalt  }
0x71: {  	_ =	shalt  }
0x72: {  	_ =	shalt  }
0x73: {  	_ =	shalt  }
0x74: {  	_ =	shalt  }
0x75: {  	_ =	shalt  }
0x76: {  	_ =	shalt  }
0x77: {  	_ =	shalt  }
0x78: {  	_ =	shalt  }
0x79: {  	_ =	shalt  }
0x7a: {  	_ =	shalt  }
0x7b: {  	_ =	shalt  }
0x7c: {  	_ =	shalt  }
0x7d: {  	_ =	shalt  }
0x7e: {  	_ =	shalt  }
0x7f: {  	_ =	shalt  }
0x80: {  	_ =	shalt  }
0x81: {  	_ =	shalt  }
0x82: {  	_ =	shalt  }
0x83: {  	_ =	shalt  }
0x84: {  	_ =	shalt  }
0x85: {  	_ =	shalt  }
0x86: {  	_ =	shalt  }
0x87: {  	_ =	shalt  }
.Lfunc_end0:
.L_simem_size_0:
called_computation_lowered:
.L_overlay_start_0:
0x88: {  	s2 =	sld [smem:$0x3FD9]  }
0x89: {  	s3 =	sld [smem:$0x3FFE];
	_ =	sdelay $0x1  }
0x8a: {  	s1 =	srdreg.scid  }
0x8b: {  	s0 =	sand.u32 $0x1, s1  }
0x8c: {  	s17 =	sshll.u32 s0, $0xA;
	s2 =	sadd.s32 s3, s2  }
0x8d: {  	s2 =	sadd.s32 s2, s17  }
0x8e: {  	[smem:$0x3FC6] =	sst s2  }
0x8f: {  	_ = 	snop  }
0x90: {  	s2 =	sld [smem:$0x3FC8]  }
0x91: {  	s18 =	sld [smem:$0x3FD0];
	(tm) =	ssettm $0x1  }
0x92: {  	s4 =	sld [smem:$0x3FFB];
	_ =	sdelay $0x3  }
0x93: {  	_ =	strace s4  }
0x94: {  	s4 =	sld [smem:$0x3FFC];
	_ =	sdelay $0x3  }
0x95: {  	_ =	strace s4  }
0x96: {  	s4 =	sld [smem:$0x3FFD];
	_ =	sdelay $0x3  }
0x97: {  	_ =	strace s4  }
0x98: {  	_ =	strace $0x8FFFFFFF  }
0x99: {  	s19 =	sld [smem:$0x3FDB];
	_ =	sdelay $0x1  }
0x9a: {  	s5 =	simm.s32 $_scs_section_size  }
0x9b: {  	s6 =	simm.s32 $_size__tile_overlayer_lowered;
	s7 =	simm.s32 $_tile_overlayer_lowered  }
0x9c: {  	s22 =	simm.s32 $0x1BFF;
	s21 =	sshll.u32 s7, $0x1;
	s4 =	sadd.s32 s5, s19  }
0x9d: {  	s8 =	simm.s32 $0x0;
	s20 =	sshll.u32 s6, $0x1;
	s6 =	sadd.s32 s21, s4  }
0x9e: {  	[timem:s8], [sflag:s22] =	dma.local [hbm:s6], s20  }
0x9f: {  	_ =	swait.ge [sflag:s22], s20  }
0xa0: {  	s5 =	ssub.s32 $0x0, s20;
	[sflag:s22] =	ssyncset.done $0x0  }
0xa1: {  	[sflag:s22] =	ssyncadd.s32 s5;
	_ =	sdelay $0x1  }
0xa2: {  	s23 =	simm.s32 $0x1B8B  }
0xa3: {  	_ =	swait.ge [sflag:s23], $0x1  }
0xa4: {  	[sflag:s23] =	ssyncset.done $0x0  }
0xa5: {  	s25 =	simm.s32 $0x1B8E;
	s24 =	sld [smem:$0x3FFE];
	[sflag:s23] =	ssyncadd.s32 $0xFFFFFFFF  }
0xa6: {  	s26 =	simm.s32 $execute0_lowered;
	[smem:$0x3FD2] =	sst s25  }
0xa7: {  	s6 =	sshll.u32 s26, $0x1;
	_ =	strace $0x80000046;
	[dreg:$0x1] =	wrdreg $0xFFFFFFFF  }
0xa8: {  	s28 =	simm.s32 $_size_execute0_lowered;
	s4 =	sadd.s32 s4, s6;
	[dreg:$0x0] =	wrdreg $0x0  }
0xa9: {  	s6 =	sshll.u32 s28, $0x1;
	[dreg:$0x2] =	wrdreg s4  }
0xaa: {  	[dreg:$0x3] =	wrdreg s6  }
0xab: {  	[dreg:$0x4] =	wrdreg $0xC0  }
0xac: {  	_ =	task [dreg:s8], $0x5FFFF  }
0xad: {  	[dreg:$0x1] =	wrdreg $0xFFFFFFFF  }
0xae: {  	[dreg:$0x0] =	wrdreg $0x60  }
0xaf: {  	[dreg:$0x2] =	wrdreg s24  }
0xb0: {  	[dreg:$0x3] =	wrdreg s2  }
0xb1: {  	[dreg:$0x4] =	wrdreg s18  }
0xb2: {  	[dreg:$0x5] =	wrdreg $0xC800  }
0xb3: {  	[dreg:$0x6] =	wrdreg $0x9  }
0xb4: {  	_ =	task.clear_ibuf [dreg:s8], $0x7FFFF;
	_ =	strace $0x90000046  }
0xb5: {  	s29 =	simm.s32 $0x9;
	_ =	strace $0x80000048  }
0xb6: {  	_ =	swait.ge [sflag:s29], $0x1  }
0xb7: {  	[sflag:s29] =	ssyncadd.s32 $0xFFFFFFFF  }
0xb8: {  	_ =	strace $0x90000048  }
0xb9: {  	_ =	sfence  }
0xba: {  	s30 =	sld [smem:$0x0];
	_ =	sdelay $0x2  }
0xbb: {  	s31 =	sshll.u32 s1, $0xD;
	s1 =	sshrl.u32 s1, $0x2  }
0xbc: {  	s3 =	sand.u32 $0x4000, s31;
	s1 =	sadd.s32 s1, s30  }
0xbd: {  	s0 =	sor.u32 s3, s0;
	s1 =	sshll.u32 s1, $0x11  }
0xbe: {  	s0 =	sor.u32 s1, s0  }
0xbf: {  	s0 =	sadd.s32 $0x8F2B, s0  }
0xc0: {  	[sflag:s0] =	ssyncadd.remote.s32 $0x1  }
0xc1: {  	_ =	sfence.sel $0xFFFF  }
0xc2: {  	[dreg:$0x0] =	wrdreg $0xFFFFFFFF;
	(pc) =	sbr.abs _section_cstart, $3  }
0xc3: {  	[dreg:$0x1] =	wrdreg $0xFFFFFFFF  }
0xc4: {  	_ =	task.clear_ibuf [dreg:s8], $0x2FFFF;
	_ =	strace $0x9FFFFFFF  }
0xc5: {  	(tm) =	ssettm $0x7FFFFFFF  }
tec
execute0_lowered:
.L_overlay_start_1:
0x0: {  	(tag) =	ssettag $0x1  }
0x1: {  	s0 =	srdreg.scid;
	s3 =	stileid.u32  }
0x2: {  	s2 =	sand.u32 $0x1, s0;
	s12 =	sshll.u32 s3, $0x1  }
0x3: {  	s6 =	rddreg [dreg:$0x0];
	s4 =	sor.u32 s2, s12  }
0x4: {  	s5 =	rddreg [dreg:$0x2];
	s2 =	ssub.s32 $0x2, s2;
	s1 =	smul.u32 $0xC80, s4  }
0x5: {  	s0 =	simm.s32 $0x0;
	s7 =	smul.u32 $0xC800, s4;
	s9 =	sshrl.u32 s2, $0x1  }
0x6: {  	[smem:$0x7FF] =	sst s0;
	s2 =	ssub.s32 s2, s9;
	s8 =	sshrl.u32 s1, $0x3  }
0x7: {  	s30 =	sadd.s32 s5, s7;
	s13 =	smin.u32 s1, $0x18320;
	s14 =	smin.u32 s1, $0x182A0  }
0x8: {  	s15 =	smin.u32 s1, $0x18220;
	s10 =	smin.u32 s1, $0x181A0;
	s12 =	smin.u32 s1, $0x18120  }
0x9: {  	s18 =	smin.u32 s1, $0x18020;
	s22 =	smin.u32 s1, $0x17EA0;
	s26 =	smin.u32 s1, $0x17D20  }
0xa: {  	s6 =	sadd.s32 s8, s6;
	s7 =	sadd.s32 $0x300, s13;
	s8 =	sadd.s32 $0x380, s14  }
0xb: {  	s9 =	sadd.s32 $0x400, s15;
	s10 =	sadd.s32 $0x480, s10;
	s13 =	smin.u32 s1, $0x180A0  }
0xc: {  	s15 =	smin.u32 s1, $0x17FA0;
	s11 =	sshll.u32 s7, $0x4;
	s16 =	sshll.u32 s8, $0x4  }
0xd: {  	s14 =	sshll.u32 s9, $0x4;
	s19 =	sshll.u32 s10, $0x4;
	s11 =	sadd.s32 s5, s11  }
0xe: {  	s17 =	sadd.s32 s5, s14;
	s14 =	sadd.s32 s5, s19;
	[dreg:$0x5] =	wrdreg s11  }
0xf: {  	s19 =	smin.u32 s1, $0x17DA0;
	s11 =	sadd.s32 $0x500, s12;
	[dreg:$0x7] =	wrdreg s17  }
0x10: {  	s12 =	sadd.s32 s5, s16;
	[dreg:$0x8] =	wrdreg s14;
	s14 =	sadd.s32 $0x680, s15  }
0x11: {  	s16 =	smin.u32 s1, $0x17F20;
	[dreg:$0x6] =	wrdreg s12;
	s12 =	sadd.s32 $0x580, s13  }
0x12: {  	s13 =	sadd.s32 $0x600, s18;
	s20 =	sshll.u32 s11, $0x4;
	s18 =	smin.u32 s1, $0x17E20  }
0x13: {  	s24 =	sshll.u32 s14, $0x4;
	s17 =	sshll.u32 s12, $0x4;
	s15 =	sadd.s32 s5, s20  }
0x14: {  	s23 =	sshll.u32 s13, $0x4;
	[dreg:$0x9] =	wrdreg s15;
	s21 =	sadd.s32 s5, s17  }
0x15: {  	s15 =	sadd.s32 $0x700, s16;
	s17 =	sadd.s32 s5, s23;
	[dreg:$0xa] =	wrdreg s21  }
0x16: {  	s16 =	sadd.s32 $0x780, s22;
	s22 =	smin.u32 s1, $0x17C20;
	[dreg:$0xb] =	wrdreg s17  }
0x17: {  	s17 =	sadd.s32 $0x800, s18;
	s20 =	sshll.u32 s15, $0x4;
	s18 =	sadd.s32 s5, s24  }
0x18: {  	s28 =	sshll.u32 s16, $0x4;
	s21 =	smin.u32 s1, $0x17CA0;
	[dreg:$0xc] =	wrdreg s18  }
0x19: {  	s18 =	sadd.s32 $0x880, s19;
	s25 =	sadd.s32 s5, s20;
	s19 =	sadd.s32 $0x900, s26  }
0x1a: {  	s20 =	sadd.s32 s5, s28;
	s29 =	sshll.u32 s17, $0x4;
	[dreg:$0xd] =	wrdreg s25  }
0x1b: {  	[dreg:$0xe] =	wrdreg s20;
	s20 =	sadd.s32 $0x980, s21;
	s23 =	sshll.u32 s18, $0x4  }
0x1c: {  	s21 =	sadd.s32 s5, s29;
	s25 =	smin.u32 s1, $0x17BA0;
	s26 =	sshll.u32 s19, $0x4  }
0x1d: {  	s29 =	smin.u32 s1, $0x17AA0;
	[dreg:$0xf] =	wrdreg s21;
	s21 =	sadd.s32 $0xA00, s22  }
0x1e: {  	s24 =	sadd.s32 s5, s23;
	s22 =	sadd.s32 $0xA80, s25;
	s23 =	sadd.s32 s5, s26  }
0x1f: {  	s28 =	sshll.u32 s20, $0x4;
	[dreg:$0x10] =	wrdreg s24;
	s24 =	smin.u32 s1, $0x17B20  }
0x20: {  	[dreg:$0x11] =	wrdreg s23;
	s26 =	sshll.u32 s21, $0x4;
	s23 =	sadd.s32 s5, s28  }
0x21: {  	s28 =	sadd.s32 $0xB80, s29;
	s29 =	smin.u32 s1, $0x17A20;
	s25 =	sadd.s32 $0xB00, s24  }
0x22: {  	[dreg:$0x12] =	wrdreg s23;
	s26 =	sadd.s32 s5, s26;
	s24 =	sshll.u32 s22, $0x4  }
0x23: {  	[dreg:$0x13] =	wrdreg s26;
	s26 =	sshll.u32 s25, $0x4;
	s24 =	sadd.s32 s5, s24  }
0x24: {  	[dreg:$0x14] =	wrdreg s24;
	s26 =	sadd.s32 s5, s26;
	s24 =	sshll.u32 s28, $0x4  }
0x25: {  	s29 =	sadd.s32 $0xC00, s29;
	[dreg:$0x15] =	wrdreg s26;
	s23 =	sadd.s32 s5, s24  }
0x26: {  	s26 =	sshll.u32 s29, $0x4;
	[dreg:$0x16] =	wrdreg s23  }
0x27: {  	s5 =	sadd.s32 s5, s26;
	s23 =	rddreg [dreg:$0x3]  }
0x28: {  	s7 =	ssub.s32 s7, s1;
	[dreg:$0x17] =	wrdreg s5  }
0x29: {  	s8 =	ssub.s32 s8, s1;
	_ =	strace $0x80000047;
	[dreg:$0x18] =	wrdreg s7  }
0x2a: {  	s9 =	ssub.s32 s9, s1;
	[dreg:$0x19] =	wrdreg s8  }
0x2b: {  	s10 =	ssub.s32 s10, s1;
	[dreg:$0x1a] =	wrdreg s9  }
0x2c: {  	s11 =	ssub.s32 s11, s1;
	[dreg:$0x1b] =	wrdreg s10  }
0x2d: {  	s12 =	ssub.s32 s12, s1;
	[dreg:$0x1c] =	wrdreg s11  }
0x2e: {  	s13 =	ssub.s32 s13, s1;
	[dreg:$0x1d] =	wrdreg s12  }
0x2f: {  	s14 =	ssub.s32 s14, s1;
	[dreg:$0x1e] =	wrdreg s13  }
0x30: {  	s15 =	ssub.s32 s15, s1;
	[dreg:$0x1f] =	wrdreg s14  }
0x31: {  	s16 =	ssub.s32 s16, s1;
	[smem:$0x7F2] =	sst s15  }
0x32: {  	p0 =	sne.s32 s3, $0x0;
	s17 =	ssub.s32 s17, s1;
	[smem:$0x7F3] =	sst s16  }
0x33: {  	s3 =	simm.s32 $0xF20;
	s18 =	ssub.s32 s18, s1;
	[smem:$0x7F4] =	sst s17  }
0x34: {  	p1 =	seq.s32 s4, $0x1F;
	s19 =	ssub.s32 s19, s1;
	[smem:$0x7F5] =	sst s18  }
0x35: {  	s4 =	simm.s32 $0x4F20;
	s20 =	ssub.s32 s20, s1;
	[smem:$0x7F6] =	sst s19  }
0x36: {  	s31 =	smov.u32 s30;
	s21 =	ssub.s32 s21, s1;
	[smem:$0x7F7] =	sst s20  }
0x37: {  	s22 =	ssub.s32 s22, s1;
	s25 =	ssub.s32 s25, s1;
	[smem:$0x7F8] =	sst s21  }
0x38: {  	s24 =	sadd.s32 $0x400, s6;
	s6 =	simm.s32 $0x8F20;
	[smem:$0x7F9] =	sst s22  }
0x39: {  	s26 =	ssub.s32 s28, s1;
	s28 =	ssub.s32 s29, s1;
	[smem:$0x7FA] =	sst s25  }
0x3a: {  	s29 =	sadd.s32 $0x800, s30;
	s5 =	simm.s32 $0x3;
	[smem:$0x7FB] =	sst s26  }
0x3b: {  	[smem:$0x7FC] =	sst s28;
	s19 =	ssub.s32 $0x18620, s1;
	s15 =	smax.u32 s2, $0x1  }
0x3c: {  	[smem:$0x7FD] =	sst s29;
	s17 =	sadd.s32 $0x1000, s30;
	s18 =	sadd.s32 $0x1800, s30  }
.Ltmp0:
0x3d: {  	s21 =	sadd.s32 $0x2000, s30;
	s22 =	sadd.s32 $0x2800, s30;
	(pc) =	sbr.rel .LBB2_1-.Ltmp0, $4  }
0x3e: {  	s20 =	simm.s32 $0x80;
	s8 =	simm.s32 $0xCF20;
	s9 =	simm.s32 $0x1  }
0x3f: {  	s11 =	simm.s32 $0x10F20;
	s12 =	simm.s32 $0x2;
	s13 =	simm.s32 $0x6  }
0x40: {  	s7 =	simm.s32 $0x7;
	s10 =	simm.s32 $0x4;
	s14 =	simm.s32 $0x8  }
0x41: {  	s2 =	simm.s32 $0x5;
	s1 =	simm.s32 $0x9;
	s25 =	simm.s32 $0xA  }
.LBB2_3:
0x42: {  	_ =	swait.ge [sflag:s7], $0x4000  }
0x43: {  	[sflag:s7] =	ssyncset.done $0x0  }
0x44: {  	s26 =	simm.s32 $0x4;
	s16 =	rddreg [dreg:$0x1d];
	[sflag:s7] =	ssyncadd.s32 $0xFFFFC000  }
0x45: {  	[tilespmem:s4], [sflag:$0x2] =	stream.indirect.gather [spmem:s23], $0x80, s16, s20, $0xb8;
	[tilespmem:$0x14F20] =	vst v63  }
0x46: {  	_ =	swait.ge [sflag:s26], $0x4000  }
0x47: {  	[sflag:s26] =	ssyncset.done $0x0  }
0x48: {  	s29 =	simm.s32 $0x5;
	[sflag:s26] =	ssyncadd.s32 $0xFFFFC000  }
0x49: {  	[tilespmem:s6], [sflag:$0x3] =	stream.indirect.gather [spmem:s23], $0x80, s19, s20, $0xb8;
	[tilespmem:$0x14F20] =	vst v63  }
0x4a: {  	_ =	swait.ge [sflag:s29], $0x4000  }
0x4b: {  	[sflag:s29] =	ssyncset.done $0x0  }
0x4c: {  	[sflag:s29] =	ssyncadd.s32 $0xFFFFC000  }
0x4d: {  	[tilespmem:s8], [sflag:$0x4] =	stream.indirect.gather [spmem:s23], $0x80, s19, s20, $0xb8;
	[tilespmem:$0x14F20] =	vst v63  }
0x4e: {  	_ =	swait.ge [sflag:s9], $0x4000  }
0x4f: {  	[sflag:s9] =	ssyncset.done $0x0  }
0x50: {  	s28 =	simm.s32 $0x2;
	[sflag:s9] =	ssyncadd.s32 $0xFFFFC000  }
0x51: {  	[tilespmem:s11], [sflag:$0x5] =	stream.indirect.gather [spmem:s23], $0x80, s19, s20, $0xb8;
	[tilespmem:$0x14F20] =	vst v63  }
0x52: {  	_ =	swait.ge [sflag:s28], $0x4000  }
0x53: {  	[sflag:s28] =	ssyncset.done $0x0  }
0x54: {  	s30 =	simm.s32 $0x3;
	[sflag:s28] =	ssyncadd.s32 $0xFFFFC000  }
0x55: {  	[tilespmem:s3], [sflag:$0x1] =	stream.indirect.gather [spmem:s23], $0x80, s19, s20, $0xb8;
	[tilespmem:$0x14F20] =	vst v63  }
0x56: {  	_ =	swait.ge [sflag:s30], $0x4000  }
0x57: {  	[sflag:s30] =	ssyncset.done $0x0  }
0x58: {  	[sflag:s30] =	ssyncadd.s32 $0xFFFFC000  }
0x59: {  	[tilespmem:s4], [sflag:$0x2] =	stream.indirect.gather [spmem:s23], $0x80, s19, s20, $0xb8;
	[tilespmem:$0x14F20] =	vst v63  }
0x5a: {  	_ =	swait.ge [sflag:s26], $0x4000  }
0x5b: {  	[sflag:s26] =	ssyncset.done $0x0  }
0x5c: {  	[sflag:s26] =	ssyncadd.s32 $0xFFFFC000  }
0x5d: {  	[tilespmem:s6], [sflag:$0x3] =	stream.indirect.gather [spmem:s23], $0x80, s19, s20, $0xb8;
	[tilespmem:$0x14F20] =	vst v63  }
0x5e: {  	_ =	swait.ge [sflag:s29], $0x4000  }
0x5f: {  	[sflag:s29] =	ssyncset.done $0x0  }
0x60: {  	[sflag:s29] =	ssyncadd.s32 $0xFFFFC000  }
0x61: {  	[tilespmem:s8], [sflag:$0x4] =	stream.indirect.gather [spmem:s23], $0x80, s19, s20, $0xb8;
	[tilespmem:$0x14F20] =	vst v63  }
0x62: {  	_ =	swait.ge [sflag:s9], $0x4000  }
0x63: {  	[sflag:s9] =	ssyncset.done $0x0  }
0x64: {  	[sflag:s9] =	ssyncadd.s32 $0xFFFFC000  }
0x65: {  	[tilespmem:s11], [sflag:$0x5] =	stream.indirect.gather [spmem:s23], $0x80, s19, s20, $0xb8;
	[tilespmem:$0x14F20] =	vst v63  }
0x66: {  	_ =	swait.ge [sflag:s28], $0x4000  }
0x67: {  	[sflag:s28] =	ssyncset.done $0x0  }
0x68: {  	[sflag:s28] =	ssyncadd.s32 $0xFFFFC000  }
0x69: {  	[tilespmem:s3], [sflag:$0x1] =	stream.indirect.gather [spmem:s23], $0x80, s19, s20, $0xb8;
	[tilespmem:$0x14F20] =	vst v63  }
0x6a: {  	_ =	swait.ge [sflag:s30], $0x4000  }
0x6b: {  	[sflag:s30] =	ssyncset.done $0x0  }
0x6c: {  	[sflag:s30] =	ssyncadd.s32 $0xFFFFC000  }
0x6d: {  	[tilespmem:s4], [sflag:$0x2] =	stream.indirect.gather [spmem:s23], $0x80, s19, s20, $0xb8;
	[tilespmem:$0x14F20] =	vst v63  }
0x6e: {  	_ =	swait.ge [sflag:s26], $0x4000  }
0x6f: {  	[sflag:s26] =	ssyncset.done $0x0  }
0x70: {  	[sflag:s26] =	ssyncadd.s32 $0xFFFFC000  }
0x71: {  	[tilespmem:s6], [sflag:$0x3] =	stream.indirect.gather [spmem:s23], $0x80, s19, s20, $0xb8;
	[tilespmem:$0x14F20] =	vst v63  }
0x72: {  	_ =	swait.ge [sflag:s29], $0x4000  }
0x73: {  	[sflag:s29] =	ssyncset.done $0x0  }
0x74: {  	[sflag:s29] =	ssyncadd.s32 $0xFFFFC000  }
0x75: {  	[tilespmem:s8], [sflag:$0x4] =	stream.indirect.gather [spmem:s23], $0x80, s19, s20, $0xb8;
	[tilespmem:$0x14F20] =	vst v63  }
0x76: {  	_ =	swait.ge [sflag:s9], $0x4000  }
0x77: {  	[sflag:s9] =	ssyncset.done $0x0  }
0x78: {  	[sflag:s9] =	ssyncadd.s32 $0xFFFFC000  }
0x79: {  	[tilespmem:s11], [sflag:$0x5] =	stream.indirect.gather [spmem:s23], $0x80, s19, s20, $0xb8;
	[tilespmem:$0x14F20] =	vst v63  }
.LBB2_4:
0x7a: {  	_ =	swait.ge [sflag:s28], $0x4000  }
0x7b: {  	[sflag:s28] =	ssyncset.done $0x0  }
0x7c: {  	[sflag:s28] =	ssyncadd.s32 $0xFFFFC000  }
0x7d: {  	_ =	swait.ge [sflag:s30], $0x4000  }
0x7e: {  	[sflag:s30] =	ssyncset.done $0x0  }
0x7f: {  	s15 =	sadd.s32 $0xFFFFFFFF, s15;
	[sflag:s30] =	ssyncadd.s32 $0xFFFFC000  }
0x80: {  	p2 =	sne.s32 s15, $0x0;
	_ =	swait.ge [sflag:s26], $0x4000  }
.Ltmp1:
0x81: {  	[sflag:s26] =	ssyncset.done $0x0;
	(pc) =	sbr.rel @!p2 .LBB2_5-.Ltmp1, $4  }
0x82: {  	[sflag:s26] =	ssyncadd.s32 $0xFFFFC000  }
0x83: {  	_ =	swait.ge [sflag:s29], $0x4000  }
0x84: {  	[sflag:s29] =	ssyncset.done $0x0  }
0x85: {  	[sflag:s29] =	ssyncadd.s32 $0xFFFFC000  }
.LBB2_1:
0x86: {  	s26 =	simm.s32 @p0 $0x0  }
0x87: {  	[tilespmem:s26], [sflag:$0xC] =	stream.linear.gather @p0 [hbm4b:s24+s26], $0xC80, $0x38;
	[tilespmem:$0x14F20] =	vst v63  }
0x88: {  	s26 =	simm.s32 @p0 $0xC  }
0x89: {  	_ =	swait.ge @p0 [sflag:s26], $0xC80  }
0x8a: {  	[sflag:s26] =	ssyncset.done @p0 $0x0  }
0x8b: {  	[sflag:s26] =	ssyncadd.s32 @p0 $0xFFFFF380  }
0x8c: {  	s28 =	simm.s32 @!p0 $0x1C0B;
	s26 =	sshrl.u32 @!p0 s23, $0x3;
	s16 =	rddreg [dreg:$0x1]  }
0x8d: {  	[spmem:s26], [sflag:s28] =	dma.local @!p0 [hbm:s16], $0x540  }
0x8e: {  	s26 =	simm.s32 @!p0 $0x0  }
0x8f: {  	[tilespmem:s26], [sflag:$0xC] =	stream.linear.gather @!p0 [hbm4b:s24+s26], $0xC80, $0x38;
	[tilespmem:$0x14F20] =	vst v63  }
0x90: {  	s26 =	simm.s32 @!p0 $0xC  }
0x91: {  	_ =	swait.ge @!p0 [sflag:s26], $0xC80  }
0x92: {  	[sflag:s26] =	ssyncset.done @!p0 $0x0  }
0x93: {  	[sflag:s26] =	ssyncadd.s32 @!p0 $0xFFFFF380;
	s26 =	simm.s32 @!p0 $0xB  }
0x94: {  	_ =	swait.ge @!p0 [sflag:s26], $0x540  }
0x95: {  	[sflag:s26] =	ssyncset.done @!p0 $0x0  }
0x96: {  	[sflag:s26] =	ssyncadd.s32 @!p0 $0xFFFFFAC0  }
0x97: {  	[bflag:$0x0] =	sbarrier.arrive $0xFFFF  }
0x98: {  	[tilespmem:s3], [sflag:$0x1] =	stream.indirect.gather [spmem:s23], $0x80, s0, s20, $0xb8;
	[tilespmem:$0x14F20] =	vst v63  }
0x99: {  	_ = 	snop  }
0x9a: {  	[tilespmem:s4], [sflag:$0x2] =	stream.indirect.gather [spmem:s23], $0x80, s20, s20, $0xb8;
	[tilespmem:$0x14F20] =	vst v63  }
0x9b: {  	s28 =	simm.s32 $0x100  }
0x9c: {  	[tilespmem:s6], [sflag:$0x3] =	stream.indirect.gather [spmem:s23], $0x80, s28, s20, $0xb8;
	[tilespmem:$0x14F20] =	vst v63  }
0x9d: {  	s29 =	simm.s32 $0x180  }
0x9e: {  	[tilespmem:s8], [sflag:$0x4] =	stream.indirect.gather [spmem:s23], $0x80, s29, s20, $0xb8;
	[tilespmem:$0x14F20] =	vst v63  }
0x9f: {  	_ =	swait.ge [sflag:s9], $0x4000  }
0xa0: {  	[sflag:s9] =	ssyncset.done $0x0  }
0xa1: {  	[sflag:s9] =	ssyncadd.s32 $0xFFFFC000  }
0xa2: {  	[hbm4b:s31+s0] =	stream.linear.scatter [tilespmem:s3], [sflag:$0x6], $0x4000, $0x38;
	[tilespmem:$0x14F20] =	vst v63  }
0xa3: {  	s30 =	simm.s32 $0x200  }
0xa4: {  	[tilespmem:s11], [sflag:$0x5] =	stream.indirect.gather [spmem:s23], $0x80, s30, s20, $0xb8;
	[tilespmem:$0x14F20] =	vst v63  }
0xa5: {  	_ =	swait.ge [sflag:s12], $0x4000  }
0xa6: {  	s26 =	sld [smem:$0x7FD]  }
0xa7: {  	[sflag:s12] =	ssyncset.done $0x0  }
0xa8: {  	[sflag:s12] =	ssyncadd.s32 $0xFFFFC000  }
0xa9: {  	[hbm4b:s26+s0] =	stream.linear.scatter [tilespmem:s4], [sflag:$0x7], $0x4000, $0x38;
	[tilespmem:$0x14F20] =	vst v63  }
0xaa: {  	_ =	swait.ge [sflag:s13], $0x4000  }
0xab: {  	[sflag:s13] =	ssyncset.done $0x0  }
0xac: {  	s28 =	simm.s32 $0x280;
	[sflag:s13] =	ssyncadd.s32 $0xFFFFC000  }
0xad: {  	[tilespmem:s3], [sflag:$0x1] =	stream.indirect.gather [spmem:s23], $0x80, s28, s20, $0xb8;
	[tilespmem:$0x14F20] =	vst v63  }
0xae: {  	_ =	swait.ge [sflag:s5], $0x4000  }
0xaf: {  	[sflag:s5] =	ssyncset.done $0x0  }
0xb0: {  	[sflag:s5] =	ssyncadd.s32 $0xFFFFC000  }
0xb1: {  	[hbm4b:s17+s0] =	stream.linear.scatter [tilespmem:s6], [sflag:$0x8], $0x4000, $0x38;
	[tilespmem:$0x14F20] =	vst v63  }
0xb2: {  	_ =	swait.ge [sflag:s7], $0x4000  }
0xb3: {  	[sflag:s7] =	ssyncset.done $0x0  }
0xb4: {  	s29 =	rddreg [dreg:$0x18];
	[sflag:s7] =	ssyncadd.s32 $0xFFFFC000  }
0xb5: {  	[tilespmem:s4], [sflag:$0x2] =	stream.indirect.gather [spmem:s23], $0x80, s29, s20, $0xb8;
	[tilespmem:$0x14F20] =	vst v63  }
0xb6: {  	_ =	swait.ge [sflag:s10], $0x4000  }
0xb7: {  	[sflag:s10] =	ssyncset.done $0x0  }
0xb8: {  	[sflag:s10] =	ssyncadd.s32 $0xFFFFC000  }
0xb9: {  	[hbm4b:s18+s0] =	stream.linear.scatter [tilespmem:s8], [sflag:$0x9], $0x4000, $0x38;
	[tilespmem:$0x14F20] =	vst v63  }
0xba: {  	_ =	swait.ge [sflag:s14], $0x4000  }
0xbb: {  	[sflag:s14] =	ssyncset.done $0x0  }
0xbc: {  	s30 =	rddreg [dreg:$0x19];
	[sflag:s14] =	ssyncadd.s32 $0xFFFFC000  }
0xbd: {  	[tilespmem:s6], [sflag:$0x3] =	stream.indirect.gather [spmem:s23], $0x80, s30, s20, $0xb8;
	[tilespmem:$0x14F20] =	vst v63  }
0xbe: {  	_ =	swait.ge [sflag:s2], $0x4000  }
0xbf: {  	[sflag:s2] =	ssyncset.done $0x0  }
0xc0: {  	[sflag:s2] =	ssyncadd.s32 $0xFFFFC000  }
0xc1: {  	[hbm4b:s21+s0] =	stream.linear.scatter [tilespmem:s11], [sflag:$0xA], $0x4000, $0x38;
	[tilespmem:$0x14F20] =	vst v63  }
0xc2: {  	_ =	swait.ge [sflag:s1], $0x4000  }
0xc3: {  	[sflag:s1] =	ssyncset.done $0x0  }
0xc4: {  	s26 =	rddreg [dreg:$0x1a];
	[sflag:s1] =	ssyncadd.s32 $0xFFFFC000  }
0xc5: {  	[tilespmem:s8], [sflag:$0x4] =	stream.indirect.gather [spmem:s23], $0x80, s26, s20, $0xb8;
	[tilespmem:$0x14F20] =	vst v63  }
0xc6: {  	_ =	swait.ge [sflag:s9], $0x4000  }
0xc7: {  	[sflag:s9] =	ssyncset.done $0x0  }
0xc8: {  	[sflag:s9] =	ssyncadd.s32 $0xFFFFC000  }
0xc9: {  	[hbm4b:s22+s0] =	stream.linear.scatter [tilespmem:s3], [sflag:$0x6], $0x4000, $0x38;
	[tilespmem:$0x14F20] =	vst v63  }
0xca: {  	_ =	swait.ge [sflag:s25], $0x4000  }
0xcb: {  	[sflag:s25] =	ssyncset.done $0x0  }
0xcc: {  	s28 =	rddreg [dreg:$0x1b];
	[sflag:s25] =	ssyncadd.s32 $0xFFFFC000  }
0xcd: {  	[tilespmem:s11], [sflag:$0x5] =	stream.indirect.gather [spmem:s23], $0x80, s28, s20, $0xb8;
	[tilespmem:$0x14F20] =	vst v63  }
0xce: {  	_ =	swait.ge [sflag:s12], $0x4000  }
0xcf: {  	[sflag:s12] =	ssyncset.done $0x0  }
0xd0: {  	s29 =	rddreg [dreg:$0x5];
	[sflag:s12] =	ssyncadd.s32 $0xFFFFC000  }
0xd1: {  	[hbm4b:s29+s0] =	stream.linear.scatter [tilespmem:s4], [sflag:$0x7], $0x4000, $0x38;
	[tilespmem:$0x14F20] =	vst v63  }
0xd2: {  	_ =	swait.ge [sflag:s13], $0x4000  }
0xd3: {  	[sflag:s13] =	ssyncset.done $0x0  }
.Ltmp2:
0xd4: {  	s30 =	rddreg [dreg:$0x1c];
	[sflag:s13] =	ssyncadd.s32 $0xFFFFC000;
	(pc) =	sbr.rel @p1 .LBB2_3-.Ltmp2, $4  }
0xd5: {  	[tilespmem:s3], [sflag:$0x1] =	stream.indirect.gather [spmem:s23], $0x80, s30, s20, $0xb8;
	[tilespmem:$0x14F20] =	vst v63  }
0xd6: {  	_ =	swait.ge [sflag:s5], $0x4000  }
0xd7: {  	[sflag:s5] =	ssyncset.done $0x0  }
0xd8: {  	[sflag:s5] =	ssyncadd.s32 $0xFFFFC000  }
0xd9: {  	s26 =	rddreg [dreg:$0x6];
	s28 =	simm.s32 $0x7  }
0xda: {  	[hbm4b:s26+s0] =	stream.linear.scatter [tilespmem:s6], [sflag:$0x8], $0x4000, $0x38;
	[tilespmem:$0x14F20] =	vst v63  }
0xdb: {  	_ =	swait.ge [sflag:s28], $0x4000  }
0xdc: {  	[sflag:s28] =	ssyncset.done $0x0  }
0xdd: {  	s16 =	rddreg [dreg:$0x1d];
	[sflag:s28] =	ssyncadd.s32 $0xFFFFC000  }
0xde: {  	[tilespmem:s4], [sflag:$0x2] =	stream.indirect.gather [spmem:s23], $0x80, s16, s20, $0xb8;
	[tilespmem:$0x14F20] =	vst v63  }
0xdf: {  	_ =	swait.ge [sflag:s10], $0x4000  }
0xe0: {  	[sflag:s10] =	ssyncset.done $0x0  }
0xe1: {  	s30 =	simm.s32 $0x8;
	s16 =	rddreg [dreg:$0x7];
	[sflag:s10] =	ssyncadd.s32 $0xFFFFC000  }
0xe2: {  	[hbm4b:s16+s0] =	stream.linear.scatter [tilespmem:s8], [sflag:$0x9], $0x4000, $0x38;
	[tilespmem:$0x14F20] =	vst v63  }
0xe3: {  	_ =	swait.ge [sflag:s30], $0x4000  }
0xe4: {  	[sflag:s30] =	ssyncset.done $0x0  }
0xe5: {  	s26 =	rddreg [dreg:$0x1e];
	[sflag:s30] =	ssyncadd.s32 $0xFFFFC000  }
0xe6: {  	[tilespmem:s6], [sflag:$0x3] =	stream.indirect.gather [spmem:s23], $0x80, s26, s20, $0xb8;
	[tilespmem:$0x14F20] =	vst v63  }
0xe7: {  	_ =	swait.ge [sflag:s2], $0x4000  }
0xe8: {  	[sflag:s2] =	ssyncset.done $0x0  }
0xe9: {  	s26 =	simm.s32 $0x9;
	s16 =	rddreg [dreg:$0x8];
	[sflag:s2] =	ssyncadd.s32 $0xFFFFC000  }
0xea: {  	[hbm4b:s16+s0] =	stream.linear.scatter [tilespmem:s11], [sflag:$0xA], $0x4000, $0x38;
	[tilespmem:$0x14F20] =	vst v63  }
0xeb: {  	_ =	swait.ge [sflag:s26], $0x4000  }
0xec: {  	[sflag:s26] =	ssyncset.done $0x0  }
0xed: {  	s16 =	rddreg [dreg:$0x1f];
	[sflag:s26] =	ssyncadd.s32 $0xFFFFC000  }
0xee: {  	[tilespmem:s8], [sflag:$0x4] =	stream.indirect.gather [spmem:s23], $0x80, s16, s20, $0xb8;
	[tilespmem:$0x14F20] =	vst v63  }
0xef: {  	_ =	swait.ge [sflag:s9], $0x4000  }
0xf0: {  	[sflag:s9] =	ssyncset.done $0x0  }
0xf1: {  	s29 =	rddreg [dreg:$0x9];
	[sflag:s9] =	ssyncadd.s32 $0xFFFFC000  }
0xf2: {  	[hbm4b:s29+s0] =	stream.linear.scatter [tilespmem:s3], [sflag:$0x6], $0x4000, $0x38;
	[tilespmem:$0x14F20] =	vst v63  }
0xf3: {  	s29 =	simm.s32 $0xA  }
0xf4: {  	_ =	swait.ge [sflag:s29], $0x4000  }
0xf5: {  	s16 =	sld [smem:$0x7F2]  }
0xf6: {  	[sflag:s29] =	ssyncset.done $0x0  }
0xf7: {  	[sflag:s29] =	ssyncadd.s32 $0xFFFFC000  }
0xf8: {  	[tilespmem:s11], [sflag:$0x5] =	stream.indirect.gather [spmem:s23], $0x80, s16, s20, $0xb8;
	[tilespmem:$0x14F20] =	vst v63  }
0xf9: {  	_ =	swait.ge [sflag:s12], $0x4000  }
0xfa: {  	[sflag:s12] =	ssyncset.done $0x0  }
0xfb: {  	s16 =	rddreg [dreg:$0xa];
	[sflag:s12] =	ssyncadd.s32 $0xFFFFC000  }
0xfc: {  	[hbm4b:s16+s0] =	stream.linear.scatter [tilespmem:s4], [sflag:$0x7], $0x4000, $0x38;
	[tilespmem:$0x14F20] =	vst v63  }
0xfd: {  	_ =	swait.ge [sflag:s13], $0x4000  }
0xfe: {  	s16 =	sld [smem:$0x7F3]  }
0xff: {  	[sflag:s13] =	ssyncset.done $0x0  }
0x100: {  	[sflag:s13] =	ssyncadd.s32 $0xFFFFC000  }
0x101: {  	[tilespmem:s3], [sflag:$0x1] =	stream.indirect.gather [spmem:s23], $0x80, s16, s20, $0xb8;
	[tilespmem:$0x14F20] =	vst v63  }
0x102: {  	_ =	swait.ge [sflag:s5], $0x4000  }
0x103: {  	[sflag:s5] =	ssyncset.done $0x0  }
0x104: {  	s16 =	rddreg [dreg:$0xb];
	[sflag:s5] =	ssyncadd.s32 $0xFFFFC000  }
0x105: {  	[hbm4b:s16+s0] =	stream.linear.scatter [tilespmem:s6], [sflag:$0x8], $0x4000, $0x38;
	[tilespmem:$0x14F20] =	vst v63  }
0x106: {  	_ =	swait.ge [sflag:s28], $0x4000  }
0x107: {  	s16 =	sld [smem:$0x7F4]  }
0x108: {  	[sflag:s28] =	ssyncset.done $0x0  }
0x109: {  	[sflag:s28] =	ssyncadd.s32 $0xFFFFC000  }
0x10a: {  	[tilespmem:s4], [sflag:$0x2] =	stream.indirect.gather [spmem:s23], $0x80, s16, s20, $0xb8;
	[tilespmem:$0x14F20] =	vst v63  }
0x10b: {  	_ =	swait.ge [sflag:s10], $0x4000  }
0x10c: {  	[sflag:s10] =	ssyncset.done $0x0  }
0x10d: {  	s16 =	rddreg [dreg:$0xc];
	[sflag:s10] =	ssyncadd.s32 $0xFFFFC000  }
0x10e: {  	[hbm4b:s16+s0] =	stream.linear.scatter [tilespmem:s8], [sflag:$0x9], $0x4000, $0x38;
	[tilespmem:$0x14F20] =	vst v63  }
0x10f: {  	_ =	swait.ge [sflag:s30], $0x4000  }
0x110: {  	s16 =	sld [smem:$0x7F5]  }
0x111: {  	[sflag:s30] =	ssyncset.done $0x0  }
0x112: {  	[sflag:s30] =	ssyncadd.s32 $0xFFFFC000  }
0x113: {  	[tilespmem:s6], [sflag:$0x3] =	stream.indirect.gather [spmem:s23], $0x80, s16, s20, $0xb8;
	[tilespmem:$0x14F20] =	vst v63  }
0x114: {  	_ =	swait.ge [sflag:s2], $0x4000  }
0x115: {  	[sflag:s2] =	ssyncset.done $0x0  }
0x116: {  	s16 =	rddreg [dreg:$0xd];
	[sflag:s2] =	ssyncadd.s32 $0xFFFFC000  }
0x117: {  	[hbm4b:s16+s0] =	stream.linear.scatter [tilespmem:s11], [sflag:$0xA], $0x4000, $0x38;
	[tilespmem:$0x14F20] =	vst v63  }
0x118: {  	_ =	swait.ge [sflag:s26], $0x4000  }
0x119: {  	s16 =	sld [smem:$0x7F6]  }
0x11a: {  	[sflag:s26] =	ssyncset.done $0x0  }
0x11b: {  	[sflag:s26] =	ssyncadd.s32 $0xFFFFC000  }
0x11c: {  	[tilespmem:s8], [sflag:$0x4] =	stream.indirect.gather [spmem:s23], $0x80, s16, s20, $0xb8;
	[tilespmem:$0x14F20] =	vst v63  }
0x11d: {  	_ =	swait.ge [sflag:s9], $0x4000  }
0x11e: {  	[sflag:s9] =	ssyncset.done $0x0  }
0x11f: {  	s16 =	rddreg [dreg:$0xe];
	[sflag:s9] =	ssyncadd.s32 $0xFFFFC000  }
0x120: {  	[hbm4b:s16+s0] =	stream.linear.scatter [tilespmem:s3], [sflag:$0x6], $0x4000, $0x38;
	[tilespmem:$0x14F20] =	vst v63  }
0x121: {  	_ =	swait.ge [sflag:s29], $0x4000  }
0x122: {  	s16 =	sld [smem:$0x7F7]  }
0x123: {  	[sflag:s29] =	ssyncset.done $0x0  }
0x124: {  	[sflag:s29] =	ssyncadd.s32 $0xFFFFC000  }
0x125: {  	[tilespmem:s11], [sflag:$0x5] =	stream.indirect.gather [spmem:s23], $0x80, s16, s20, $0xb8;
	[tilespmem:$0x14F20] =	vst v63  }
0x126: {  	_ =	swait.ge [sflag:s12], $0x4000  }
0x127: {  	[sflag:s12] =	ssyncset.done $0x0  }
0x128: {  	s16 =	rddreg [dreg:$0xf];
	[sflag:s12] =	ssyncadd.s32 $0xFFFFC000  }
0x129: {  	[hbm4b:s16+s0] =	stream.linear.scatter [tilespmem:s4], [sflag:$0x7], $0x4000, $0x38;
	[tilespmem:$0x14F20] =	vst v63  }
0x12a: {  	_ =	swait.ge [sflag:s13], $0x4000  }
0x12b: {  	s16 =	sld [smem:$0x7F8]  }
0x12c: {  	[sflag:s13] =	ssyncset.done $0x0  }
0x12d: {  	[sflag:s13] =	ssyncadd.s32 $0xFFFFC000  }
0x12e: {  	[tilespmem:s3], [sflag:$0x1] =	stream.indirect.gather [spmem:s23], $0x80, s16, s20, $0xb8;
	[tilespmem:$0x14F20] =	vst v63  }
0x12f: {  	_ =	swait.ge [sflag:s5], $0x4000  }
0x130: {  	[sflag:s5] =	ssyncset.done $0x0  }
0x131: {  	s16 =	rddreg [dreg:$0x10];
	[sflag:s5] =	ssyncadd.s32 $0xFFFFC000  }
0x132: {  	[hbm4b:s16+s0] =	stream.linear.scatter [tilespmem:s6], [sflag:$0x8], $0x4000, $0x38;
	[tilespmem:$0x14F20] =	vst v63  }
0x133: {  	_ =	swait.ge [sflag:s28], $0x4000  }
0x134: {  	s16 =	sld [smem:$0x7F9]  }
0x135: {  	[sflag:s28] =	ssyncset.done $0x0  }
0x136: {  	[sflag:s28] =	ssyncadd.s32 $0xFFFFC000  }
0x137: {  	[tilespmem:s4], [sflag:$0x2] =	stream.indirect.gather [spmem:s23], $0x80, s16, s20, $0xb8;
	[tilespmem:$0x14F20] =	vst v63  }
0x138: {  	_ =	swait.ge [sflag:s10], $0x4000  }
0x139: {  	[sflag:s10] =	ssyncset.done $0x0  }
0x13a: {  	s16 =	rddreg [dreg:$0x11];
	[sflag:s10] =	ssyncadd.s32 $0xFFFFC000  }
0x13b: {  	[hbm4b:s16+s0] =	stream.linear.scatter [tilespmem:s8], [sflag:$0x9], $0x4000, $0x38;
	[tilespmem:$0x14F20] =	vst v63  }
0x13c: {  	_ =	swait.ge [sflag:s30], $0x4000  }
0x13d: {  	s16 =	sld [smem:$0x7FA]  }
0x13e: {  	[sflag:s30] =	ssyncset.done $0x0  }
0x13f: {  	[sflag:s30] =	ssyncadd.s32 $0xFFFFC000  }
0x140: {  	[tilespmem:s6], [sflag:$0x3] =	stream.indirect.gather [spmem:s23], $0x80, s16, s20, $0xb8;
	[tilespmem:$0x14F20] =	vst v63  }
0x141: {  	_ =	swait.ge [sflag:s2], $0x4000  }
0x142: {  	[sflag:s2] =	ssyncset.done $0x0  }
0x143: {  	s16 =	rddreg [dreg:$0x12];
	[sflag:s2] =	ssyncadd.s32 $0xFFFFC000  }
0x144: {  	[hbm4b:s16+s0] =	stream.linear.scatter [tilespmem:s11], [sflag:$0xA], $0x4000, $0x38;
	[tilespmem:$0x14F20] =	vst v63  }
0x145: {  	_ =	swait.ge [sflag:s26], $0x4000  }
0x146: {  	s16 =	sld [smem:$0x7FB]  }
0x147: {  	[sflag:s26] =	ssyncset.done $0x0  }
0x148: {  	[sflag:s26] =	ssyncadd.s32 $0xFFFFC000  }
0x149: {  	[tilespmem:s8], [sflag:$0x4] =	stream.indirect.gather [spmem:s23], $0x80, s16, s20, $0xb8;
	[tilespmem:$0x14F20] =	vst v63  }
0x14a: {  	_ =	swait.ge [sflag:s9], $0x4000  }
0x14b: {  	[sflag:s9] =	ssyncset.done $0x0  }
0x14c: {  	s16 =	rddreg [dreg:$0x13];
	[sflag:s9] =	ssyncadd.s32 $0xFFFFC000  }
0x14d: {  	[hbm4b:s16+s0] =	stream.linear.scatter [tilespmem:s3], [sflag:$0x6], $0x4000, $0x38;
	[tilespmem:$0x14F20] =	vst v63  }
0x14e: {  	_ =	swait.ge [sflag:s29], $0x4000  }
0x14f: {  	s16 =	sld [smem:$0x7FC]  }
0x150: {  	[sflag:s29] =	ssyncset.done $0x0  }
0x151: {  	[sflag:s29] =	ssyncadd.s32 $0xFFFFC000  }
0x152: {  	[tilespmem:s11], [sflag:$0x5] =	stream.indirect.gather [spmem:s23], $0x80, s16, s20, $0xb8;
	[tilespmem:$0x14F20] =	vst v63  }
0x153: {  	_ =	swait.ge [sflag:s12], $0x4000  }
0x154: {  	[sflag:s12] =	ssyncset.done $0x0  }
0x155: {  	s16 =	rddreg [dreg:$0x14];
	[sflag:s12] =	ssyncadd.s32 $0xFFFFC000  }
0x156: {  	[hbm4b:s16+s0] =	stream.linear.scatter [tilespmem:s4], [sflag:$0x7], $0x4000, $0x38;
	[tilespmem:$0x14F20] =	vst v63  }
0x157: {  	_ =	swait.ge [sflag:s5], $0x4000  }
0x158: {  	[sflag:s5] =	ssyncset.done $0x0  }
0x159: {  	s16 =	rddreg [dreg:$0x15];
	[sflag:s5] =	ssyncadd.s32 $0xFFFFC000  }
0x15a: {  	[hbm4b:s16+s0] =	stream.linear.scatter [tilespmem:s6], [sflag:$0x8], $0x4000, $0x38;
	[tilespmem:$0x14F20] =	vst v63  }
0x15b: {  	_ =	swait.ge [sflag:s10], $0x4000  }
0x15c: {  	[sflag:s10] =	ssyncset.done $0x0  }
0x15d: {  	s16 =	rddreg [dreg:$0x16];
	[sflag:s10] =	ssyncadd.s32 $0xFFFFC000  }
0x15e: {  	[hbm4b:s16+s0] =	stream.linear.scatter [tilespmem:s8], [sflag:$0x9], $0x4000, $0x38;
	[tilespmem:$0x14F20] =	vst v63  }
0x15f: {  	_ =	swait.ge [sflag:s2], $0x4000  }
0x160: {  	[sflag:s2] =	ssyncset.done $0x0  }
.Ltmp3:
0x161: {  	s16 =	rddreg [dreg:$0x17];
	[sflag:s2] =	ssyncadd.s32 $0xFFFFC000;
	(pc) =	sbr.rel .LBB2_4-.Ltmp3, $4  }
0x162: {  	[hbm4b:s16+s0] =	stream.linear.scatter [tilespmem:s11], [sflag:$0xA], $0x4000, $0x38;
	[tilespmem:$0x14F20] =	vst v63  }
0x163: {  	_ =	swait.ge [sflag:s13], $0x4000  }
0x164: {  	[sflag:s13] =	ssyncset.done $0x0  }
0x165: {  	[sflag:s13] =	ssyncadd.s32 $0xFFFFC000  }
.LBB2_5:
0x166: {  	_ =	sfence.sel $0x180000  }
0x167: {  	[bflag:$0x0] =	sbarrier.arrive $0xFFFF  }
0x168: {  	_ =	strace $0x90000047  }
0x169: {  	[bflag:$0x2] =	sbarrier.arrive $0xFFFF  }
0x16a: {  	s0 =	rddreg [dreg:$0x4]  }
0x16b: {  	s0 =	sadd.s32 @!p0 $0x100000, s0  }
0x16c: {  	[sflag:s0] =	ssyncadd.tile.s32 @!p0 $0x1;
	_ =	shalt  }
.Lfunc_end2:
_tile_overlayer_lowered:
.L_overlay_start_2:
0x16d: {  	(tag) =	ssettag $0x2  }
0x16e: {  	s0 =	rddreg [dreg:$0x0];
	s2 =	stileid.u32  }
0x16f: {  	s1 =	rddreg [dreg:$0x1];
	p0 =	sne.s32 s2, $0x0  }
0x170: {  	s3 =	rddreg [dreg:$0x2];
	[bflag:$0x3] =	sbarrier.arrive $0xFFFF;
	s2 =	simm.s32 @!p0 $0x1C0C  }
0x171: {  	[timem:s3], [sflag:s2] =	dma.local @!p0 [hbm:s0], s1  }
0x172: {  	s0 =	simm.s32 @!p0 $0xC  }
0x173: {  	_ =	swait.ge @!p0 [sflag:s0], s1  }
0x174: {  	s1 =	ssub.s32 @!p0 $0x0, s1;
	[sflag:s0] =	ssyncset.done @!p0 $0x0  }
0x175: {  	[sflag:s0] =	ssyncadd.s32 @!p0 s1  }
0x176: {  	[bflag:$0x3] =	sbarrier.arrive $0xFFFF  }
0x177: {  	_ =	shalt  }

</sc_bundles>
